<compile_context>
chip_gen: v7x
topology: tpu7x:2x2x1
jax: 0.10.2.dev20260603
libtpu: 0.0.44.dev20260713+nightly
codegen_flags: <defaults>
</compile_context>

<pallas_src>
import jax
import jax.numpy as jnp
from jax import lax
from jax.experimental import pallas as pl
from jax.experimental.pallas import tpu as pltpu
from jax.experimental.pallas import tpu_sc as plsc

_UNPRUNED = 1_000_000
_B, _F = 16384, 26
_NW = 32
_COLS = _B // _NW
_NSCH = 2
_SCH = _F * _COLS // _NSCH


def _sc_body(idx_hbm, al_hbm, ru_hbm, remap_hbm, p0_hbm, p1_hbm,
             idx_v, val_v, ones_v, ru_shared, sem_i, sem_g, sem_s, stage_sem):
  c = lax.axis_index("c")
  s = lax.axis_index("s")
  cols = pl.ds((c * 16 + s) * _COLS, _COLS)

  load_cps = [
      pltpu.async_copy(idx_hbm.at[r, cols], idx_v.at[pl.ds(r * _COLS, _COLS)],
                       sem_i)
      for r in range(_F)
  ]

  @pl.when(s == 0)
  def _():
    pltpu.async_copy(ru_hbm, ru_shared, stage_sem)

  def _fill(i, carry):
    ones_v[pl.ds(i * 16, 16)] = jnp.full((16,), 1.0, jnp.float32)
    return carry
  lax.fori_loop(0, _SCH // 16, _fill, 0)

  for cp in load_cps:
    cp.wait()
  gather_cp = pltpu.async_copy(al_hbm.at[idx_v], val_v, sem_g)

  @pl.when(s == 0)
  def _():
    pltpu.make_async_copy(ru_hbm, ru_shared, stage_sem).wait()
  plsc.subcore_barrier()

  scatter_cps = [
      pltpu.async_copy(ones_v, ru_shared.at[idx_v.at[pl.ds(j * _SCH, _SCH)]],
                       sem_s, add=True)
      for j in range(_NSCH)
  ]
  gather_cp.wait()
  wb_cps = [
      pltpu.async_copy(val_v.at[pl.ds(r * _COLS, _COLS)], remap_hbm.at[r, cols],
                       sem_i)
      for r in range(_F)
  ]
  for cp in wb_cps:
    cp.wait()
  for cp in scatter_cps:
    cp.wait()

  plsc.subcore_barrier()

  @pl.when((s == 0) & (c == 0))
  def _():
    pltpu.sync_copy(ru_shared, p0_hbm)

  @pl.when((s == 0) & (c == 1))
  def _():
    pltpu.sync_copy(ru_shared, p1_hbm)


@jax.jit
def _sc_call(idx_t, address_lookup, row_util):
  mesh = plsc.VectorSubcoreMesh(core_axis_name="c", subcore_axis_name="s")
  return pl.kernel(
      _sc_body,
      out_type=(
          jax.ShapeDtypeStruct((_F, _B), jnp.int32),
          jax.ShapeDtypeStruct((_UNPRUNED,), jnp.float32),
          jax.ShapeDtypeStruct((_UNPRUNED,), jnp.float32),
      ),
      mesh=mesh,
      scratch_types=[
          pltpu.VMEM((_F * _COLS,), jnp.int32),
          pltpu.VMEM((_F * _COLS,), jnp.int32),
          pltpu.VMEM((_SCH,), jnp.float32),
          pltpu.VMEM_SHARED((_UNPRUNED,), jnp.float32),
          pltpu.SemaphoreType.DMA,
          pltpu.SemaphoreType.DMA,
          pltpu.SemaphoreType.DMA,
          pltpu.SemaphoreType.DMA,
      ],
  )(idx_t, address_lookup, row_util)


def kernel(indices, address_lookup, row_util, cur_iter):
  del cur_iter
  remap_t, p0, p1 = _sc_call(indices.T, address_lookup, row_util)
  return remap_t.T, (p0 - row_util) + p1

# --- scband reference (transcript-rebuilt; emitter-appended) ---
"""Pipeline reference for scband-generic-itepmodule-73658689126421 (READ-ONLY COPY).

The authoritative reference and input builder live on the scoring server;
editing this copy changes nothing except your own understanding.
"""

import jax, jax.numpy as jnp
import numpy as np

# GenericITEPModule (torchrec In-Training Embedding Pruning), single pruned table.
# Core forward math: remap lookup indices through an address_lookup buffer
# (gather) and update per-row utilization counters (scatter-add).
UNPRUNED = 1000000   # table_name_to_unpruned_hash_sizes['table_0']
PRUNED = 800000      # pruned (physical) hash size
B, F = 16384, 26     # RECSYS batch x n_sparse_fields


def setup_inputs(seed: int = 0) -> dict:
    key = jax.random.key(seed)
    indices = jax.random.randint(jax.random.fold_in(key, 1), (B, F), 0, UNPRUNED)
    # fbgemm.init_address_lookup initializes an identity-style mapping of
    # unpruned row ids into the pruned physical table.
    address_lookup = jnp.mod(jnp.arange(UNPRUNED), PRUNED)
    row_util = jnp.zeros((UNPRUNED,), dtype=jnp.float32)
    cur_iter = 100
    return {"indices": indices, "address_lookup": address_lookup,
            "row_util": row_util, "cur_iter": cur_iter}


def reference(indices, address_lookup, row_util, cur_iter):
    flat = indices.reshape(-1)
    # index remapping: gather from the address lookup buffer
    remapped = jnp.take(address_lookup, flat, axis=0).reshape(indices.shape)
    # utilization tracking: scatter-add of 1.0 per touched (unpruned) row
    new_row_util = row_util.at[flat].add(1.0)
    return remapped, new_row_util

if __name__ == "__main__":
    import jax
    _d = setup_inputs()
    print(jax.jit(kernel)(*tuple(_d.values())))

</pallas_src>

<mosaic_0001>
#map = affine_map<(d0, d1) -> (0, 0)>
#map1 = affine_map<(d0, d1) -> (0)>
module attributes {stable_mosaic.version = 14 : i64} {
  func.func @_sc_body(%arg0: i32, %arg1: i32, %arg2: memref<26x16384xi32, #tpu.memory_space<hbm>>, %arg3: memref<1000000xi32, #tpu.memory_space<hbm>>, %arg4: memref<1000000xf32, #tpu.memory_space<hbm>>, %arg5: memref<26x16384xi32, #tpu.memory_space<hbm>>, %arg6: memref<1000000xf32, #tpu.memory_space<hbm>>, %arg7: memref<1000000xf32, #tpu.memory_space<hbm>>, %arg8: memref<13312xi32, #tpu.memory_space<vmem>>, %arg9: memref<13312xi32, #tpu.memory_space<vmem>>, %arg10: memref<6656xf32, #tpu.memory_space<vmem>>, %arg11: memref<1000000xf32, #tpu.memory_space<vmem_shared>>, %arg12: memref<!tpu.dma_semaphore, #tpu.memory_space<semaphore_mem>>, %arg13: memref<!tpu.dma_semaphore, #tpu.memory_space<semaphore_mem>>, %arg14: memref<!tpu.dma_semaphore, #tpu.memory_space<semaphore_mem>>, %arg15: memref<!tpu.dma_semaphore, #tpu.memory_space<semaphore_mem>>) attributes {dimension_semantics = [#tpu.dimension_semantics<core_parallel>, #tpu.dimension_semantics<subcore_parallel>], iteration_bounds = array<i64: 2, 16>, scalar_prefetch = 0 : i64, scratch_operands = 8 : i64, tpu.core_type = #tpu.core_type<sc_vector_subcore>, window_params = [{transform_indices = #map}, {transform_indices = #map1}, {transform_indices = #map1}, {transform_indices = #map}, {transform_indices = #map1}, {transform_indices = #map1}]} {
    %mul3A = arith.constant 16 : i32
    %mul3A_0 = arith.muli %arg0, %mul3A : i32
    %add3A = arith.addi %mul3A_0, %arg1 : i32
    %mul3A_1 = arith.constant 512 : i32
    %mul3A_2 = arith.muli %add3A, %mul3A_1 : i32
    %dma_start3A = arith.constant 0 : i32
    %dma_start3A_3 = arith.constant 0 : i32
    %dma_start3A_4 = tpu.memref_slice %arg8[%dma_start3A_3] : memref<13312xi32, #tpu.memory_space<vmem>> -> memref<512xi32, #tpu.memory_space<vmem>>
    %dma_start3A_5 = tpu.memref_slice %arg2[%dma_start3A, %mul3A_2] : memref<26x16384xi32, #tpu.memory_space<hbm>> -> memref<1x512xi32, #tpu.memory_space<hbm>>
    %dma_start3A_6 = tpu.memref_squeeze %dma_start3A_5 : memref<1x512xi32, #tpu.memory_space<hbm>> -> memref<512xi32, #tpu.memory_space<hbm>>
    %dma_start3A_7 = arith.constant 0 : i32
    %dma_start3A_8 = tpu.memref_slice %arg8[%dma_start3A_7] : memref<13312xi32, #tpu.memory_space<vmem>> -> memref<512xi32, #tpu.memory_space<vmem>>
    %dma_start3A_9 = tpu.memref_slice %arg2[%dma_start3A, %mul3A_2] : memref<26x16384xi32, #tpu.memory_space<hbm>> -> memref<1x512xi32, #tpu.memory_space<hbm>>
    %dma_start3A_10 = tpu.memref_squeeze %dma_start3A_9 : memref<1x512xi32, #tpu.memory_space<hbm>> -> memref<512xi32, #tpu.memory_space<hbm>>
    tpu.enqueue_dma source(%dma_start3A_10 : memref<512xi32, #tpu.memory_space<hbm>>) target(%dma_start3A_8 : memref<512xi32, #tpu.memory_space<vmem>>) target_semaphore(%arg12 : memref<!tpu.dma_semaphore, #tpu.memory_space<semaphore_mem>>)
    %dma_start3A_11 = arith.constant 1 : i32
    %dma_start3A_12 = arith.constant 512 : i32
    %dma_start3A_13 = tpu.memref_slice %arg8[%dma_start3A_12] : memref<13312xi32, #tpu.memory_space<vmem>> -> memref<512xi32, #tpu.memory_space<vmem>>
    %dma_start3A_14 = tpu.memref_slice %arg2[%dma_start3A_11, %mul3A_2] : memref<26x16384xi32, #tpu.memory_space<hbm>> -> memref<1x512xi32, #tpu.memory_space<hbm>>
    %dma_start3A_15 = tpu.memref_squeeze %dma_start3A_14 : memref<1x512xi32, #tpu.memory_space<hbm>> -> memref<512xi32, #tpu.memory_space<hbm>>
    %dma_start3A_16 = arith.constant 512 : i32
    %dma_start3A_17 = tpu.memref_slice %arg8[%dma_start3A_16] : memref<13312xi32, #tpu.memory_space<vmem>> -> memref<512xi32, #tpu.memory_space<vmem>>
    %dma_start3A_18 = tpu.memref_slice %arg2[%dma_start3A_11, %mul3A_2] : memref<26x16384xi32, #tpu.memory_space<hbm>> -> memref<1x512xi32, #tpu.memory_space<hbm>>
    %dma_start3A_19 = tpu.memref_squeeze %dma_start3A_18 : memref<1x512xi32, #tpu.memory_space<hbm>> -> memref<512xi32, #tpu.memory_space<hbm>>
    tpu.enqueue_dma source(%dma_start3A_19 : memref<512xi32, #tpu.memory_space<hbm>>) target(%dma_start3A_17 : memref<512xi32, #tpu.memory_space<vmem>>) target_semaphore(%arg12 : memref<!tpu.dma_semaphore, #tpu.memory_space<semaphore_mem>>)
    %dma_start3A_20 = arith.constant 2 : i32
    %dma_start3A_21 = arith.constant 1024 : i32
    %dma_start3A_22 = tpu.memref_slice %arg8[%dma_start3A_21] : memref<13312xi32, #tpu.memory_space<vmem>> -> memref<512xi32, #tpu.memory_space<vmem>>
    %dma_start3A_23 = tpu.memref_slice %arg2[%dma_start3A_20, %mul3A_2] : memref<26x16384xi32, #tpu.memory_space<hbm>> -> memref<1x512xi32, #tpu.memory_space<hbm>>
    %dma_start3A_24 = tpu.memref_squeeze %dma_start3A_23 : memref<1x512xi32, #tpu.memory_space<hbm>> -> memref<512xi32, #tpu.memory_space<hbm>>
    %dma_start3A_25 = arith.constant 1024 : i32
    %dma_start3A_26 = tpu.memref_slice %arg8[%dma_start3A_25] : memref<13312xi32, #tpu.memory_space<vmem>> -> memref<512xi32, #tpu.memory_space<vmem>>
    %dma_start3A_27 = tpu.memref_slice %arg2[%dma_start3A_20, %mul3A_2] : memref<26x16384xi32, #tpu.memory_space<hbm>> -> memref<1x512xi32, #tpu.memory_space<hbm>>
    %dma_start3A_28 = tpu.memref_squeeze %dma_start3A_27 : memref<1x512xi32, #tpu.memory_space<hbm>> -> memref<512xi32, #tpu.memory_space<hbm>>
    tpu.enqueue_dma source(%dma_start3A_28 : memref<512xi32, #tpu.memory_space<hbm>>) target(%dma_start3A_26 : memref<512xi32, #tpu.memory_space<vmem>>) target_semaphore(%arg12 : memref<!tpu.dma_semaphore, #tpu.memory_space<semaphore_mem>>)
    %dma_start3A_29 = arith.constant 3 : i32
    %dma_start3A_30 = arith.constant 1536 : i32
    %dma_start3A_31 = tpu.memref_slice %arg8[%dma_start3A_30] : memref<13312xi32, #tpu.memory_space<vmem>> -> memref<512xi32, #tpu.memory_space<vmem>>
    %dma_start3A_32 = tpu.memref_slice %arg2[%dma_start3A_29, %mul3A_2] : memref<26x16384xi32, #tpu.memory_space<hbm>> -> memref<1x512xi32, #tpu.memory_space<hbm>>
    %dma_start3A_33 = tpu.memref_squeeze %dma_start3A_32 : memref<1x512xi32, #tpu.memory_space<hbm>> -> memref<512xi32, #tpu.memory_space<hbm>>
    %dma_start3A_34 = arith.constant 1536 : i32
    %dma_start3A_35 = tpu.memref_slice %arg8[%dma_start3A_34] : memref<13312xi32, #tpu.memory_space<vmem>> -> memref<512xi32, #tpu.memory_space<vmem>>
    %dma_start3A_36 = tpu.memref_slice %arg2[%dma_start3A_29, %mul3A_2] : memref<26x16384xi32, #tpu.memory_space<hbm>> -> memref<1x512xi32, #tpu.memory_space<hbm>>
    %dma_start3A_37 = tpu.memref_squeeze %dma_start3A_36 : memref<1x512xi32, #tpu.memory_space<hbm>> -> memref<512xi32, #tpu.memory_space<hbm>>
    tpu.enqueue_dma source(%dma_start3A_37 : memref<512xi32, #tpu.memory_space<hbm>>) target(%dma_start3A_35 : memref<512xi32, #tpu.memory_space<vmem>>) target_semaphore(%arg12 : memref<!tpu.dma_semaphore, #tpu.memory_space<semaphore_mem>>)
    %dma_start3A_38 = arith.constant 4 : i32
    %dma_start3A_39 = arith.constant 2048 : i32
    %dma_start3A_40 = tpu.memref_slice %arg8[%dma_start3A_39] : memref<13312xi32, #tpu.memory_space<vmem>> -> memref<512xi32, #tpu.memory_space<vmem>>
    %dma_start3A_41 = tpu.memref_slice %arg2[%dma_start3A_38, %mul3A_2] : memref<26x16384xi32, #tpu.memory_space<hbm>> -> memref<1x512xi32, #tpu.memory_space<hbm>>
    %dma_start3A_42 = tpu.memref_squeeze %dma_start3A_41 : memref<1x512xi32, #tpu.memory_space<hbm>> -> memref<512xi32, #tpu.memory_space<hbm>>
    %dma_start3A_43 = arith.constant 2048 : i32
    %dma_start3A_44 = tpu.memref_slice %arg8[%dma_start3A_43] : memref<13312xi32, #tpu.memory_space<vmem>> -> memref<512xi32, #tpu.memory_space<vmem>>
    %dma_start3A_45 = tpu.memref_slice %arg2[%dma_start3A_38, %mul3A_2] : memref<26x16384xi32, #tpu.memory_space<hbm>> -> memref<1x512xi32, #tpu.memory_space<hbm>>
    %dma_start3A_46 = tpu.memref_squeeze %dma_start3A_45 : memref<1x512xi32, #tpu.memory_space<hbm>> -> memref<512xi32, #tpu.memory_space<hbm>>
    tpu.enqueue_dma source(%dma_start3A_46 : memref<512xi32, #tpu.memory_space<hbm>>) target(%dma_start3A_44 : memref<512xi32, #tpu.memory_space<vmem>>) target_semaphore(%arg12 : memref<!tpu.dma_semaphore, #tpu.memory_space<semaphore_mem>>)
    %dma_start3A_47 = arith.constant 5 : i32
    %dma_start3A_48 = arith.constant 2560 : i32
    %dma_start3A_49 = tpu.memref_slice %arg8[%dma_start3A_48] : memref<13312xi32, #tpu.memory_space<vmem>> -> memref<512xi32, #tpu.memory_space<vmem>>
    %dma_start3A_50 = tpu.memref_slice %arg2[%dma_start3A_47, %mul3A_2] : memref<26x16384xi32, #tpu.memory_space<hbm>> -> memref<1x512xi32, #tpu.memory_space<hbm>>
    %dma_start3A_51 = tpu.memref_squeeze %dma_start3A_50 : memref<1x512xi32, #tpu.memory_space<hbm>> -> memref<512xi32, #tpu.memory_space<hbm>>
    %dma_start3A_52 = arith.constant 2560 : i32
    %dma_start3A_53 = tpu.memref_slice %arg8[%dma_start3A_52] : memref<13312xi32, #tpu.memory_space<vmem>> -> memref<512xi32, #tpu.memory_space<vmem>>
    %dma_start3A_54 = tpu.memref_slice %arg2[%dma_start3A_47, %mul3A_2] : memref<26x16384xi32, #tpu.memory_space<hbm>> -> memref<1x512xi32, #tpu.memory_space<hbm>>
    %dma_start3A_55 = tpu.memref_squeeze %dma_start3A_54 : memref<1x512xi32, #tpu.memory_space<hbm>> -> memref<512xi32, #tpu.memory_space<hbm>>
    tpu.enqueue_dma source(%dma_start3A_55 : memref<512xi32, #tpu.memory_space<hbm>>) target(%dma_start3A_53 : memref<512xi32, #tpu.memory_space<vmem>>) target_semaphore(%arg12 : memref<!tpu.dma_semaphore, #tpu.memory_space<semaphore_mem>>)
    %dma_start3A_56 = arith.constant 6 : i32
    %dma_start3A_57 = arith.constant 3072 : i32
    %dma_start3A_58 = tpu.memref_slice %arg8[%dma_start3A_57] : memref<13312xi32, #tpu.memory_space<vmem>> -> memref<512xi32, #tpu.memory_space<vmem>>
    %dma_start3A_59 = tpu.memref_slice %arg2[%dma_start3A_56, %mul3A_2] : memref<26x16384xi32, #tpu.memory_space<hbm>> -> memref<1x512xi32, #tpu.memory_space<hbm>>
    %dma_start3A_60 = tpu.memref_squeeze %dma_start3A_59 : memref<1x512xi32, #tpu.memory_space<hbm>> -> memref<512xi32, #tpu.memory_space<hbm>>
    %dma_start3A_61 = arith.constant 3072 : i32
    %dma_start3A_62 = tpu.memref_slice %arg8[%dma_start3A_61] : memref<13312xi32, #tpu.memory_space<vmem>> -> memref<512xi32, #tpu.memory_space<vmem>>
    %dma_start3A_63 = tpu.memref_slice %arg2[%dma_start3A_56, %mul3A_2] : memref<26x16384xi32, #tpu.memory_space<hbm>> -> memref<1x512xi32, #tpu.memory_space<hbm>>
    %dma_start3A_64 = tpu.memref_squeeze %dma_start3A_63 : memref<1x512xi32, #tpu.memory_space<hbm>> -> memref<512xi32, #tpu.memory_space<hbm>>
    tpu.enqueue_dma source(%dma_start3A_64 : memref<512xi32, #tpu.memory_space<hbm>>) target(%dma_start3A_62 : memref<512xi32, #tpu.memory_space<vmem>>) target_semaphore(%arg12 : memref<!tpu.dma_semaphore, #tpu.memory_space<semaphore_mem>>)
    %dma_start3A_65 = arith.constant 7 : i32
    %dma_start3A_66 = arith.constant 3584 : i32
    %dma_start3A_67 = tpu.memref_slice %arg8[%dma_start3A_66] : memref<13312xi32, #tpu.memory_space<vmem>> -> memref<512xi32, #tpu.memory_space<vmem>>
    %dma_start3A_68 = tpu.memref_slice %arg2[%dma_start3A_65, %mul3A_2] : memref<26x16384xi32, #tpu.memory_space<hbm>> -> memref<1x512xi32, #tpu.memory_space<hbm>>
    %dma_start3A_69 = tpu.memref_squeeze %dma_start3A_68 : memref<1x512xi32, #tpu.memory_space<hbm>> -> memref<512xi32, #tpu.memory_space<hbm>>
    %dma_start3A_70 = arith.constant 3584 : i32
    %dma_start3A_71 = tpu.memref_slice %arg8[%dma_start3A_70] : memref<13312xi32, #tpu.memory_space<vmem>> -> memref<512xi32, #tpu.memory_space<vmem>>
    %dma_start3A_72 = tpu.memref_slice %arg2[%dma_start3A_65, %mul3A_2] : memref<26x16384xi32, #tpu.memory_space<hbm>> -> memref<1x512xi32, #tpu.memory_space<hbm>>
    %dma_start3A_73 = tpu.memref_squeeze %dma_start3A_72 : memref<1x512xi32, #tpu.memory_space<hbm>> -> memref<512xi32, #tpu.memory_space<hbm>>
    tpu.enqueue_dma source(%dma_start3A_73 : memref<512xi32, #tpu.memory_space<hbm>>) target(%dma_start3A_71 : memref<512xi32, #tpu.memory_space<vmem>>) target_semaphore(%arg12 : memref<!tpu.dma_semaphore, #tpu.memory_space<semaphore_mem>>)
    %dma_start3A_74 = arith.constant 8 : i32
    %dma_start3A_75 = arith.constant 4096 : i32
    %dma_start3A_76 = tpu.memref_slice %arg8[%dma_start3A_75] : memref<13312xi32, #tpu.memory_space<vmem>> -> memref<512xi32, #tpu.memory_space<vmem>>
    %dma_start3A_77 = tpu.memref_slice %arg2[%dma_start3A_74, %mul3A_2] : memref<26x16384xi32, #tpu.memory_space<hbm>> -> memref<1x512xi32, #tpu.memory_space<hbm>>
    %dma_start3A_78 = tpu.memref_squeeze %dma_start3A_77 : memref<1x512xi32, #tpu.memory_space<hbm>> -> memref<512xi32, #tpu.memory_space<hbm>>
    %dma_start3A_79 = arith.constant 4096 : i32
    %dma_start3A_80 = tpu.memref_slice %arg8[%dma_start3A_79] : memref<13312xi32, #tpu.memory_space<vmem>> -> memref<512xi32, #tpu.memory_space<vmem>>
    %dma_start3A_81 = tpu.memref_slice %arg2[%dma_start3A_74, %mul3A_2] : memref<26x16384xi32, #tpu.memory_space<hbm>> -> memref<1x512xi32, #tpu.memory_space<hbm>>
    %dma_start3A_82 = tpu.memref_squeeze %dma_start3A_81 : memref<1x512xi32, #tpu.memory_space<hbm>> -> memref<512xi32, #tpu.memory_space<hbm>>
    tpu.enqueue_dma source(%dma_start3A_82 : memref<512xi32, #tpu.memory_space<hbm>>) target(%dma_start3A_80 : memref<512xi32, #tpu.memory_space<vmem>>) target_semaphore(%arg12 : memref<!tpu.dma_semaphore, #tpu.memory_space<semaphore_mem>>)
    %dma_start3A_83 = arith.constant 9 : i32
    %dma_start3A_84 = arith.constant 4608 : i32
    %dma_start3A_85 = tpu.memref_slice %arg8[%dma_start3A_84] : memref<13312xi32, #tpu.memory_space<vmem>> -> memref<512xi32, #tpu.memory_space<vmem>>
    %dma_start3A_86 = tpu.memref_slice %arg2[%dma_start3A_83, %mul3A_2] : memref<26x16384xi32, #tpu.memory_space<hbm>> -> memref<1x512xi32, #tpu.memory_space<hbm>>
    %dma_start3A_87 = tpu.memref_squeeze %dma_start3A_86 : memref<1x512xi32, #tpu.memory_space<hbm>> -> memref<512xi32, #tpu.memory_space<hbm>>
    %dma_start3A_88 = arith.constant 4608 : i32
    %dma_start3A_89 = tpu.memref_slice %arg8[%dma_start3A_88] : memref<13312xi32, #tpu.memory_space<vmem>> -> memref<512xi32, #tpu.memory_space<vmem>>
    %dma_start3A_90 = tpu.memref_slice %arg2[%dma_start3A_83, %mul3A_2] : memref<26x16384xi32, #tpu.memory_space<hbm>> -> memref<1x512xi32, #tpu.memory_space<hbm>>
    %dma_start3A_91 = tpu.memref_squeeze %dma_start3A_90 : memref<1x512xi32, #tpu.memory_space<hbm>> -> memref<512xi32, #tpu.memory_space<hbm>>
    tpu.enqueue_dma source(%dma_start3A_91 : memref<512xi32, #tpu.memory_space<hbm>>) target(%dma_start3A_89 : memref<512xi32, #tpu.memory_space<vmem>>) target_semaphore(%arg12 : memref<!tpu.dma_semaphore, #tpu.memory_space<semaphore_mem>>)
    %dma_start3A_92 = arith.constant 10 : i32
    %dma_start3A_93 = arith.constant 5120 : i32
    %dma_start3A_94 = tpu.memref_slice %arg8[%dma_start3A_93] : memref<13312xi32, #tpu.memory_space<vmem>> -> memref<512xi32, #tpu.memory_space<vmem>>
    %dma_start3A_95 = tpu.memref_slice %arg2[%dma_start3A_92, %mul3A_2] : memref<26x16384xi32, #tpu.memory_space<hbm>> -> memref<1x512xi32, #tpu.memory_space<hbm>>
    %dma_start3A_96 = tpu.memref_squeeze %dma_start3A_95 : memref<1x512xi32, #tpu.memory_space<hbm>> -> memref<512xi32, #tpu.memory_space<hbm>>
    %dma_start3A_97 = arith.constant 5120 : i32
    %dma_start3A_98 = tpu.memref_slice %arg8[%dma_start3A_97] : memref<13312xi32, #tpu.memory_space<vmem>> -> memref<512xi32, #tpu.memory_space<vmem>>
    %dma_start3A_99 = tpu.memref_slice %arg2[%dma_start3A_92, %mul3A_2] : memref<26x16384xi32, #tpu.memory_space<hbm>> -> memref<1x512xi32, #tpu.memory_space<hbm>>
    %dma_start3A_100 = tpu.memref_squeeze %dma_start3A_99 : memref<1x512xi32, #tpu.memory_space<hbm>> -> memref<512xi32, #tpu.memory_space<hbm>>
    tpu.enqueue_dma source(%dma_start3A_100 : memref<512xi32, #tpu.memory_space<hbm>>) target(%dma_start3A_98 : memref<512xi32, #tpu.memory_space<vmem>>) target_semaphore(%arg12 : memref<!tpu.dma_semaphore, #tpu.memory_space<semaphore_mem>>)
    %dma_start3A_101 = arith.constant 11 : i32
    %dma_start3A_102 = arith.constant 5632 : i32
    %dma_start3A_103 = tpu.memref_slice %arg8[%dma_start3A_102] : memref<13312xi32, #tpu.memory_space<vmem>> -> memref<512xi32, #tpu.memory_space<vmem>>
    %dma_start3A_104 = tpu.memref_slice %arg2[%dma_start3A_101, %mul3A_2] : memref<26x16384xi32, #tpu.memory_space<hbm>> -> memref<1x512xi32, #tpu.memory_space<hbm>>
    %dma_start3A_105 = tpu.memref_squeeze %dma_start3A_104 : memref<1x512xi32, #tpu.memory_space<hbm>> -> memref<512xi32, #tpu.memory_space<hbm>>
    %dma_start3A_106 = arith.constant 5632 : i32
    %dma_start3A_107 = tpu.memref_slice %arg8[%dma_start3A_106] : memref<13312xi32, #tpu.memory_space<vmem>> -> memref<512xi32, #tpu.memory_space<vmem>>
    %dma_start3A_108 = tpu.memref_slice %arg2[%dma_start3A_101, %mul3A_2] : memref<26x16384xi32, #tpu.memory_space<hbm>> -> memref<1x512xi32, #tpu.memory_space<hbm>>
    %dma_start3A_109 = tpu.memref_squeeze %dma_start3A_108 : memref<1x512xi32, #tpu.memory_space<hbm>> -> memref<512xi32, #tpu.memory_space<hbm>>
    tpu.enqueue_dma source(%dma_start3A_109 : memref<512xi32, #tpu.memory_space<hbm>>) target(%dma_start3A_107 : memref<512xi32, #tpu.memory_space<vmem>>) target_semaphore(%arg12 : memref<!tpu.dma_semaphore, #tpu.memory_space<semaphore_mem>>)
    %dma_start3A_110 = arith.constant 12 : i32
    %dma_start3A_111 = arith.constant 6144 : i32
    %dma_start3A_112 = tpu.memref_slice %arg8[%dma_start3A_111] : memref<13312xi32, #tpu.memory_space<vmem>> -> memref<512xi32, #tpu.memory_space<vmem>>
    %dma_start3A_113 = tpu.memref_slice %arg2[%dma_start3A_110, %mul3A_2] : memref<26x16384xi32, #tpu.memory_space<hbm>> -> memref<1x512xi32, #tpu.memory_space<hbm>>
    %dma_start3A_114 = tpu.memref_squeeze %dma_start3A_113 : memref<1x512xi32, #tpu.memory_space<hbm>> -> memref<512xi32, #tpu.memory_space<hbm>>
    %dma_start3A_115 = arith.constant 6144 : i32
    %dma_start3A_116 = tpu.memref_slice %arg8[%dma_start3A_115] : memref<13312xi32, #tpu.memory_space<vmem>> -> memref<512xi32, #tpu.memory_space<vmem>>
    %dma_start3A_117 = tpu.memref_slice %arg2[%dma_start3A_110, %mul3A_2] : memref<26x16384xi32, #tpu.memory_space<hbm>> -> memref<1x512xi32, #tpu.memory_space<hbm>>
    %dma_start3A_118 = tpu.memref_squeeze %dma_start3A_117 : memref<1x512xi32, #tpu.memory_space<hbm>> -> memref<512xi32, #tpu.memory_space<hbm>>
    tpu.enqueue_dma source(%dma_start3A_118 : memref<512xi32, #tpu.memory_space<hbm>>) target(%dma_start3A_116 : memref<512xi32, #tpu.memory_space<vmem>>) target_semaphore(%arg12 : memref<!tpu.dma_semaphore, #tpu.memory_space<semaphore_mem>>)
    %dma_start3A_119 = arith.constant 13 : i32
    %dma_start3A_120 = arith.constant 6656 : i32
    %dma_start3A_121 = tpu.memref_slice %arg8[%dma_start3A_120] : memref<13312xi32, #tpu.memory_space<vmem>> -> memref<512xi32, #tpu.memory_space<vmem>>
    %dma_start3A_122 = tpu.memref_slice %arg2[%dma_start3A_119, %mul3A_2] : memref<26x16384xi32, #tpu.memory_space<hbm>> -> memref<1x512xi32, #tpu.memory_space<hbm>>
    %dma_start3A_123 = tpu.memref_squeeze %dma_start3A_122 : memref<1x512xi32, #tpu.memory_space<hbm>> -> memref<512xi32, #tpu.memory_space<hbm>>
    %dma_start3A_124 = arith.constant 6656 : i32
    %dma_start3A_125 = tpu.memref_slice %arg8[%dma_start3A_124] : memref<13312xi32, #tpu.memory_space<vmem>> -> memref<512xi32, #tpu.memory_space<vmem>>
    %dma_start3A_126 = tpu.memref_slice %arg2[%dma_start3A_119, %mul3A_2] : memref<26x16384xi32, #tpu.memory_space<hbm>> -> memref<1x512xi32, #tpu.memory_space<hbm>>
    %dma_start3A_127 = tpu.memref_squeeze %dma_start3A_126 : memref<1x512xi32, #tpu.memory_space<hbm>> -> memref<512xi32, #tpu.memory_space<hbm>>
    tpu.enqueue_dma source(%dma_start3A_127 : memref<512xi32, #tpu.memory_space<hbm>>) target(%dma_start3A_125 : memref<512xi32, #tpu.memory_space<vmem>>) target_semaphore(%arg12 : memref<!tpu.dma_semaphore, #tpu.memory_space<semaphore_mem>>)
    %dma_start3A_128 = arith.constant 14 : i32
    %dma_start3A_129 = arith.constant 7168 : i32
    %dma_start3A_130 = tpu.memref_slice %arg8[%dma_start3A_129] : memref<13312xi32, #tpu.memory_space<vmem>> -> memref<512xi32, #tpu.memory_space<vmem>>
    %dma_start3A_131 = tpu.memref_slice %arg2[%dma_start3A_128, %mul3A_2] : memref<26x16384xi32, #tpu.memory_space<hbm>> -> memref<1x512xi32, #tpu.memory_space<hbm>>
    %dma_start3A_132 = tpu.memref_squeeze %dma_start3A_131 : memref<1x512xi32, #tpu.memory_space<hbm>> -> memref<512xi32, #tpu.memory_space<hbm>>
    %dma_start3A_133 = arith.constant 7168 : i32
    %dma_start3A_134 = tpu.memref_slice %arg8[%dma_start3A_133] : memref<13312xi32, #tpu.memory_space<vmem>> -> memref<512xi32, #tpu.memory_space<vmem>>
    %dma_start3A_135 = tpu.memref_slice %arg2[%dma_start3A_128, %mul3A_2] : memref<26x16384xi32, #tpu.memory_space<hbm>> -> memref<1x512xi32, #tpu.memory_space<hbm>>
    %dma_start3A_136 = tpu.memref_squeeze %dma_start3A_135 : memref<1x512xi32, #tpu.memory_space<hbm>> -> memref<512xi32, #tpu.memory_space<hbm>>
    tpu.enqueue_dma source(%dma_start3A_136 : memref<512xi32, #tpu.memory_space<hbm>>) target(%dma_start3A_134 : memref<512xi32, #tpu.memory_space<vmem>>) target_semaphore(%arg12 : memref<!tpu.dma_semaphore, #tpu.memory_space<semaphore_mem>>)
    %dma_start3A_137 = arith.constant 15 : i32
    %dma_start3A_138 = arith.constant 7680 : i32
    %dma_start3A_139 = tpu.memref_slice %arg8[%dma_start3A_138] : memref<13312xi32, #tpu.memory_space<vmem>> -> memref<512xi32, #tpu.memory_space<vmem>>
    %dma_start3A_140 = tpu.memref_slice %arg2[%dma_start3A_137, %mul3A_2] : memref<26x16384xi32, #tpu.memory_space<hbm>> -> memref<1x512xi32, #tpu.memory_space<hbm>>
    %dma_start3A_141 = tpu.memref_squeeze %dma_start3A_140 : memref<1x512xi32, #tpu.memory_space<hbm>> -> memref<512xi32, #tpu.memory_space<hbm>>
    %dma_start3A_142 = arith.constant 7680 : i32
    %dma_start3A_143 = tpu.memref_slice %arg8[%dma_start3A_142] : memref<13312xi32, #tpu.memory_space<vmem>> -> memref<512xi32, #tpu.memory_space<vmem>>
    %dma_start3A_144 = tpu.memref_slice %arg2[%dma_start3A_137, %mul3A_2] : memref<26x16384xi32, #tpu.memory_space<hbm>> -> memref<1x512xi32, #tpu.memory_space<hbm>>
    %dma_start3A_145 = tpu.memref_squeeze %dma_start3A_144 : memref<1x512xi32, #tpu.memory_space<hbm>> -> memref<512xi32, #tpu.memory_space<hbm>>
    tpu.enqueue_dma source(%dma_start3A_145 : memref<512xi32, #tpu.memory_space<hbm>>) target(%dma_start3A_143 : memref<512xi32, #tpu.memory_space<vmem>>) target_semaphore(%arg12 : memref<!tpu.dma_semaphore, #tpu.memory_space<semaphore_mem>>)
    %dma_start3A_146 = arith.constant 16 : i32
    %dma_start3A_147 = arith.constant 8192 : i32
    %dma_start3A_148 = tpu.memref_slice %arg8[%dma_start3A_147] : memref<13312xi32, #tpu.memory_space<vmem>> -> memref<512xi32, #tpu.memory_space<vmem>>
    %dma_start3A_149 = tpu.memref_slice %arg2[%dma_start3A_146, %mul3A_2] : memref<26x16384xi32, #tpu.memory_space<hbm>> -> memref<1x512xi32, #tpu.memory_space<hbm>>
    %dma_start3A_150 = tpu.memref_squeeze %dma_start3A_149 : memref<1x512xi32, #tpu.memory_space<hbm>> -> memref<512xi32, #tpu.memory_space<hbm>>
    %dma_start3A_151 = arith.constant 8192 : i32
    %dma_start3A_152 = tpu.memref_slice %arg8[%dma_start3A_151] : memref<13312xi32, #tpu.memory_space<vmem>> -> memref<512xi32, #tpu.memory_space<vmem>>
    %dma_start3A_153 = tpu.memref_slice %arg2[%dma_start3A_146, %mul3A_2] : memref<26x16384xi32, #tpu.memory_space<hbm>> -> memref<1x512xi32, #tpu.memory_space<hbm>>
    %dma_start3A_154 = tpu.memref_squeeze %dma_start3A_153 : memref<1x512xi32, #tpu.memory_space<hbm>> -> memref<512xi32, #tpu.memory_space<hbm>>
    tpu.enqueue_dma source(%dma_start3A_154 : memref<512xi32, #tpu.memory_space<hbm>>) target(%dma_start3A_152 : memref<512xi32, #tpu.memory_space<vmem>>) target_semaphore(%arg12 : memref<!tpu.dma_semaphore, #tpu.memory_space<semaphore_mem>>)
    %dma_start3A_155 = arith.constant 17 : i32
    %dma_start3A_156 = arith.constant 8704 : i32
    %dma_start3A_157 = tpu.memref_slice %arg8[%dma_start3A_156] : memref<13312xi32, #tpu.memory_space<vmem>> -> memref<512xi32, #tpu.memory_space<vmem>>
    %dma_start3A_158 = tpu.memref_slice %arg2[%dma_start3A_155, %mul3A_2] : memref<26x16384xi32, #tpu.memory_space<hbm>> -> memref<1x512xi32, #tpu.memory_space<hbm>>
    %dma_start3A_159 = tpu.memref_squeeze %dma_start3A_158 : memref<1x512xi32, #tpu.memory_space<hbm>> -> memref<512xi32, #tpu.memory_space<hbm>>
    %dma_start3A_160 = arith.constant 8704 : i32
    %dma_start3A_161 = tpu.memref_slice %arg8[%dma_start3A_160] : memref<13312xi32, #tpu.memory_space<vmem>> -> memref<512xi32, #tpu.memory_space<vmem>>
    %dma_start3A_162 = tpu.memref_slice %arg2[%dma_start3A_155, %mul3A_2] : memref<26x16384xi32, #tpu.memory_space<hbm>> -> memref<1x512xi32, #tpu.memory_space<hbm>>
    %dma_start3A_163 = tpu.memref_squeeze %dma_start3A_162 : memref<1x512xi32, #tpu.memory_space<hbm>> -> memref<512xi32, #tpu.memory_space<hbm>>
    tpu.enqueue_dma source(%dma_start3A_163 : memref<512xi32, #tpu.memory_space<hbm>>) target(%dma_start3A_161 : memref<512xi32, #tpu.memory_space<vmem>>) target_semaphore(%arg12 : memref<!tpu.dma_semaphore, #tpu.memory_space<semaphore_mem>>)
    %dma_start3A_164 = arith.constant 18 : i32
    %dma_start3A_165 = arith.constant 9216 : i32
    %dma_start3A_166 = tpu.memref_slice %arg8[%dma_start3A_165] : memref<13312xi32, #tpu.memory_space<vmem>> -> memref<512xi32, #tpu.memory_space<vmem>>
    %dma_start3A_167 = tpu.memref_slice %arg2[%dma_start3A_164, %mul3A_2] : memref<26x16384xi32, #tpu.memory_space<hbm>> -> memref<1x512xi32, #tpu.memory_space<hbm>>
    %dma_start3A_168 = tpu.memref_squeeze %dma_start3A_167 : memref<1x512xi32, #tpu.memory_space<hbm>> -> memref<512xi32, #tpu.memory_space<hbm>>
    %dma_start3A_169 = arith.constant 9216 : i32
    %dma_start3A_170 = tpu.memref_slice %arg8[%dma_start3A_169] : memref<13312xi32, #tpu.memory_space<vmem>> -> memref<512xi32, #tpu.memory_space<vmem>>
    %dma_start3A_171 = tpu.memref_slice %arg2[%dma_start3A_164, %mul3A_2] : memref<26x16384xi32, #tpu.memory_space<hbm>> -> memref<1x512xi32, #tpu.memory_space<hbm>>
    %dma_start3A_172 = tpu.memref_squeeze %dma_start3A_171 : memref<1x512xi32, #tpu.memory_space<hbm>> -> memref<512xi32, #tpu.memory_space<hbm>>
    tpu.enqueue_dma source(%dma_start3A_172 : memref<512xi32, #tpu.memory_space<hbm>>) target(%dma_start3A_170 : memref<512xi32, #tpu.memory_space<vmem>>) target_semaphore(%arg12 : memref<!tpu.dma_semaphore, #tpu.memory_space<semaphore_mem>>)
    %dma_start3A_173 = arith.constant 19 : i32
    %dma_start3A_174 = arith.constant 9728 : i32
    %dma_start3A_175 = tpu.memref_slice %arg8[%dma_start3A_174] : memref<13312xi32, #tpu.memory_space<vmem>> -> memref<512xi32, #tpu.memory_space<vmem>>
    %dma_start3A_176 = tpu.memref_slice %arg2[%dma_start3A_173, %mul3A_2] : memref<26x16384xi32, #tpu.memory_space<hbm>> -> memref<1x512xi32, #tpu.memory_space<hbm>>
    %dma_start3A_177 = tpu.memref_squeeze %dma_start3A_176 : memref<1x512xi32, #tpu.memory_space<hbm>> -> memref<512xi32, #tpu.memory_space<hbm>>
    %dma_start3A_178 = arith.constant 9728 : i32
    %dma_start3A_179 = tpu.memref_slice %arg8[%dma_start3A_178] : memref<13312xi32, #tpu.memory_space<vmem>> -> memref<512xi32, #tpu.memory_space<vmem>>
    %dma_start3A_180 = tpu.memref_slice %arg2[%dma_start3A_173, %mul3A_2] : memref<26x16384xi32, #tpu.memory_space<hbm>> -> memref<1x512xi32, #tpu.memory_space<hbm>>
    %dma_start3A_181 = tpu.memref_squeeze %dma_start3A_180 : memref<1x512xi32, #tpu.memory_space<hbm>> -> memref<512xi32, #tpu.memory_space<hbm>>
    tpu.enqueue_dma source(%dma_start3A_181 : memref<512xi32, #tpu.memory_space<hbm>>) target(%dma_start3A_179 : memref<512xi32, #tpu.memory_space<vmem>>) target_semaphore(%arg12 : memref<!tpu.dma_semaphore, #tpu.memory_space<semaphore_mem>>)
    %dma_start3A_182 = arith.constant 20 : i32
    %dma_start3A_183 = arith.constant 10240 : i32
    %dma_start3A_184 = tpu.memref_slice %arg8[%dma_start3A_183] : memref<13312xi32, #tpu.memory_space<vmem>> -> memref<512xi32, #tpu.memory_space<vmem>>
    %dma_start3A_185 = tpu.memref_slice %arg2[%dma_start3A_182, %mul3A_2] : memref<26x16384xi32, #tpu.memory_space<hbm>> -> memref<1x512xi32, #tpu.memory_space<hbm>>
    %dma_start3A_186 = tpu.memref_squeeze %dma_start3A_185 : memref<1x512xi32, #tpu.memory_space<hbm>> -> memref<512xi32, #tpu.memory_space<hbm>>
    %dma_start3A_187 = arith.constant 10240 : i32
    %dma_start3A_188 = tpu.memref_slice %arg8[%dma_start3A_187] : memref<13312xi32, #tpu.memory_space<vmem>> -> memref<512xi32, #tpu.memory_space<vmem>>
    %dma_start3A_189 = tpu.memref_slice %arg2[%dma_start3A_182, %mul3A_2] : memref<26x16384xi32, #tpu.memory_space<hbm>> -> memref<1x512xi32, #tpu.memory_space<hbm>>
    %dma_start3A_190 = tpu.memref_squeeze %dma_start3A_189 : memref<1x512xi32, #tpu.memory_space<hbm>> -> memref<512xi32, #tpu.memory_space<hbm>>
    tpu.enqueue_dma source(%dma_start3A_190 : memref<512xi32, #tpu.memory_space<hbm>>) target(%dma_start3A_188 : memref<512xi32, #tpu.memory_space<vmem>>) target_semaphore(%arg12 : memref<!tpu.dma_semaphore, #tpu.memory_space<semaphore_mem>>)
    %dma_start3A_191 = arith.constant 21 : i32
    %dma_start3A_192 = arith.constant 10752 : i32
    %dma_start3A_193 = tpu.memref_slice %arg8[%dma_start3A_192] : memref<13312xi32, #tpu.memory_space<vmem>> -> memref<512xi32, #tpu.memory_space<vmem>>
    %dma_start3A_194 = tpu.memref_slice %arg2[%dma_start3A_191, %mul3A_2] : memref<26x16384xi32, #tpu.memory_space<hbm>> -> memref<1x512xi32, #tpu.memory_space<hbm>>
    %dma_start3A_195 = tpu.memref_squeeze %dma_start3A_194 : memref<1x512xi32, #tpu.memory_space<hbm>> -> memref<512xi32, #tpu.memory_space<hbm>>
    %dma_start3A_196 = arith.constant 10752 : i32
    %dma_start3A_197 = tpu.memref_slice %arg8[%dma_start3A_196] : memref<13312xi32, #tpu.memory_space<vmem>> -> memref<512xi32, #tpu.memory_space<vmem>>
    %dma_start3A_198 = tpu.memref_slice %arg2[%dma_start3A_191, %mul3A_2] : memref<26x16384xi32, #tpu.memory_space<hbm>> -> memref<1x512xi32, #tpu.memory_space<hbm>>
    %dma_start3A_199 = tpu.memref_squeeze %dma_start3A_198 : memref<1x512xi32, #tpu.memory_space<hbm>> -> memref<512xi32, #tpu.memory_space<hbm>>
    tpu.enqueue_dma source(%dma_start3A_199 : memref<512xi32, #tpu.memory_space<hbm>>) target(%dma_start3A_197 : memref<512xi32, #tpu.memory_space<vmem>>) target_semaphore(%arg12 : memref<!tpu.dma_semaphore, #tpu.memory_space<semaphore_mem>>)
    %dma_start3A_200 = arith.constant 22 : i32
    %dma_start3A_201 = arith.constant 11264 : i32
    %dma_start3A_202 = tpu.memref_slice %arg8[%dma_start3A_201] : memref<13312xi32, #tpu.memory_space<vmem>> -> memref<512xi32, #tpu.memory_space<vmem>>
    %dma_start3A_203 = tpu.memref_slice %arg2[%dma_start3A_200, %mul3A_2] : memref<26x16384xi32, #tpu.memory_space<hbm>> -> memref<1x512xi32, #tpu.memory_space<hbm>>
    %dma_start3A_204 = tpu.memref_squeeze %dma_start3A_203 : memref<1x512xi32, #tpu.memory_space<hbm>> -> memref<512xi32, #tpu.memory_space<hbm>>
    %dma_start3A_205 = arith.constant 11264 : i32
    %dma_start3A_206 = tpu.memref_slice %arg8[%dma_start3A_205] : memref<13312xi32, #tpu.memory_space<vmem>> -> memref<512xi32, #tpu.memory_space<vmem>>
    %dma_start3A_207 = tpu.memref_slice %arg2[%dma_start3A_200, %mul3A_2] : memref<26x16384xi32, #tpu.memory_space<hbm>> -> memref<1x512xi32, #tpu.memory_space<hbm>>
    %dma_start3A_208 = tpu.memref_squeeze %dma_start3A_207 : memref<1x512xi32, #tpu.memory_space<hbm>> -> memref<512xi32, #tpu.memory_space<hbm>>
    tpu.enqueue_dma source(%dma_start3A_208 : memref<512xi32, #tpu.memory_space<hbm>>) target(%dma_start3A_206 : memref<512xi32, #tpu.memory_space<vmem>>) target_semaphore(%arg12 : memref<!tpu.dma_semaphore, #tpu.memory_space<semaphore_mem>>)
    %dma_start3A_209 = arith.constant 23 : i32
    %dma_start3A_210 = arith.constant 11776 : i32
    %dma_start3A_211 = tpu.memref_slice %arg8[%dma_start3A_210] : memref<13312xi32, #tpu.memory_space<vmem>> -> memref<512xi32, #tpu.memory_space<vmem>>
    %dma_start3A_212 = tpu.memref_slice %arg2[%dma_start3A_209, %mul3A_2] : memref<26x16384xi32, #tpu.memory_space<hbm>> -> memref<1x512xi32, #tpu.memory_space<hbm>>
    %dma_start3A_213 = tpu.memref_squeeze %dma_start3A_212 : memref<1x512xi32, #tpu.memory_space<hbm>> -> memref<512xi32, #tpu.memory_space<hbm>>
    %dma_start3A_214 = arith.constant 11776 : i32
    %dma_start3A_215 = tpu.memref_slice %arg8[%dma_start3A_214] : memref<13312xi32, #tpu.memory_space<vmem>> -> memref<512xi32, #tpu.memory_space<vmem>>
    %dma_start3A_216 = tpu.memref_slice %arg2[%dma_start3A_209, %mul3A_2] : memref<26x16384xi32, #tpu.memory_space<hbm>> -> memref<1x512xi32, #tpu.memory_space<hbm>>
    %dma_start3A_217 = tpu.memref_squeeze %dma_start3A_216 : memref<1x512xi32, #tpu.memory_space<hbm>> -> memref<512xi32, #tpu.memory_space<hbm>>
    tpu.enqueue_dma source(%dma_start3A_217 : memref<512xi32, #tpu.memory_space<hbm>>) target(%dma_start3A_215 : memref<512xi32, #tpu.memory_space<vmem>>) target_semaphore(%arg12 : memref<!tpu.dma_semaphore, #tpu.memory_space<semaphore_mem>>)
    %dma_start3A_218 = arith.constant 24 : i32
    %dma_start3A_219 = arith.constant 12288 : i32
    %dma_start3A_220 = tpu.memref_slice %arg8[%dma_start3A_219] : memref<13312xi32, #tpu.memory_space<vmem>> -> memref<512xi32, #tpu.memory_space<vmem>>
    %dma_start3A_221 = tpu.memref_slice %arg2[%dma_start3A_218, %mul3A_2] : memref<26x16384xi32, #tpu.memory_space<hbm>> -> memref<1x512xi32, #tpu.memory_space<hbm>>
    %dma_start3A_222 = tpu.memref_squeeze %dma_start3A_221 : memref<1x512xi32, #tpu.memory_space<hbm>> -> memref<512xi32, #tpu.memory_space<hbm>>
    %dma_start3A_223 = arith.constant 12288 : i32
    %dma_start3A_224 = tpu.memref_slice %arg8[%dma_start3A_223] : memref<13312xi32, #tpu.memory_space<vmem>> -> memref<512xi32, #tpu.memory_space<vmem>>
    %dma_start3A_225 = tpu.memref_slice %arg2[%dma_start3A_218, %mul3A_2] : memref<26x16384xi32, #tpu.memory_space<hbm>> -> memref<1x512xi32, #tpu.memory_space<hbm>>
    %dma_start3A_226 = tpu.memref_squeeze %dma_start3A_225 : memref<1x512xi32, #tpu.memory_space<hbm>> -> memref<512xi32, #tpu.memory_space<hbm>>
    tpu.enqueue_dma source(%dma_start3A_226 : memref<512xi32, #tpu.memory_space<hbm>>) target(%dma_start3A_224 : memref<512xi32, #tpu.memory_space<vmem>>) target_semaphore(%arg12 : memref<!tpu.dma_semaphore, #tpu.memory_space<semaphore_mem>>)
    %dma_start3A_227 = arith.constant 25 : i32
    %dma_start3A_228 = arith.constant 12800 : i32
    %dma_start3A_229 = tpu.memref_slice %arg8[%dma_start3A_228] : memref<13312xi32, #tpu.memory_space<vmem>> -> memref<512xi32, #tpu.memory_space<vmem>>
    %dma_start3A_230 = tpu.memref_slice %arg2[%dma_start3A_227, %mul3A_2] : memref<26x16384xi32, #tpu.memory_space<hbm>> -> memref<1x512xi32, #tpu.memory_space<hbm>>
    %dma_start3A_231 = tpu.memref_squeeze %dma_start3A_230 : memref<1x512xi32, #tpu.memory_space<hbm>> -> memref<512xi32, #tpu.memory_space<hbm>>
    %dma_start3A_232 = arith.constant 12800 : i32
    %dma_start3A_233 = tpu.memref_slice %arg8[%dma_start3A_232] : memref<13312xi32, #tpu.memory_space<vmem>> -> memref<512xi32, #tpu.memory_space<vmem>>
    %dma_start3A_234 = tpu.memref_slice %arg2[%dma_start3A_227, %mul3A_2] : memref<26x16384xi32, #tpu.memory_space<hbm>> -> memref<1x512xi32, #tpu.memory_space<hbm>>
    %dma_start3A_235 = tpu.memref_squeeze %dma_start3A_234 : memref<1x512xi32, #tpu.memory_space<hbm>> -> memref<512xi32, #tpu.memory_space<hbm>>
    tpu.enqueue_dma source(%dma_start3A_235 : memref<512xi32, #tpu.memory_space<hbm>>) target(%dma_start3A_233 : memref<512xi32, #tpu.memory_space<vmem>>) target_semaphore(%arg12 : memref<!tpu.dma_semaphore, #tpu.memory_space<semaphore_mem>>)
    %eq3A = arith.constant 0 : i32
    %eq3A_236 = arith.cmpi eq, %arg1, %eq3A : i32
    %convert_element_type3A = arith.extui %eq3A_236 : i1 to i32
    %cond3A = arith.constant 0 : i32
    %cond3A_237 = arith.cmpi ne, %convert_element_type3A, %cond3A : i32
    scf.if %cond3A_237 {
      tpu.enqueue_dma source(%arg4 : memref<1000000xf32, #tpu.memory_space<hbm>>) target(%arg11 : memref<1000000xf32, #tpu.memory_space<vmem_shared>>) target_semaphore(%arg15 : memref<!tpu.dma_semaphore, #tpu.memory_space<semaphore_mem>>)
    } else {
    }
    %scan3A = arith.constant 0 : i32
    %scan3A_238 = arith.constant 0 : i32
    %scan3A_239 = arith.constant 416 : i32
    %scan3A_240 = arith.addi %scan3A_238, %scan3A_239 : i32
    %scan3A_241 = arith.constant 1 : i32
    scf.for %scan3A_985 = %scan3A_238 to %scan3A_240 step %scan3A_241  : i32 {
      %broadcast_in_dim3A = arith.constant 1.000000e+00 : f32
      %broadcast_in_dim3A_986 = vector.broadcast %broadcast_in_dim3A : f32 to vector<16xf32>
      %mul3A_987 = arith.constant 16 : i32
      %mul3A_988 = arith.muli %scan3A_985, %mul3A_987 : i32
      %swap3A = arith.index_cast %mul3A_988 : i32 to index
      %swap3A_989 = tpu.vector_load %arg10[%swap3A] {strides = array<i32>} : memref<6656xf32, #tpu.memory_space<vmem>>, vector<16xf32>,
      %swap3A_990 = vector.shape_cast %swap3A_989 : vector<16xf32> to vector<16xf32>
      %swap3A_991 = vector.shape_cast %broadcast_in_dim3A_986 : vector<16xf32> to vector<16xf32>
      tpu.vector_store %arg10[%swap3A], %swap3A_991 {strides = array<i32>} : memref<6656xf32, #tpu.memory_space<vmem>>, vector<16xf32>,
    }
    %scan3A_242 = arith.constant 416 : i32
    %dma_wait3A = arith.constant 0 : i32
    %dma_wait3A_243 = arith.constant 0 : i32
    %dma_wait3A_244 = tpu.memref_slice %arg8[%dma_wait3A_243] : memref<13312xi32, #tpu.memory_space<vmem>> -> memref<512xi32, #tpu.memory_space<vmem>>
    %dma_wait3A_245 = tpu.memref_slice %arg2[%dma_wait3A, %mul3A_2] : memref<26x16384xi32, #tpu.memory_space<hbm>> -> memref<1x512xi32, #tpu.memory_space<hbm>>
    %dma_wait3A_246 = tpu.memref_squeeze %dma_wait3A_245 : memref<1x512xi32, #tpu.memory_space<hbm>> -> memref<512xi32, #tpu.memory_space<hbm>>
    %dma_wait3A_247 = arith.constant 0 : i32
    %dma_wait3A_248 = tpu.memref_slice %arg8[%dma_wait3A_247] : memref<13312xi32, #tpu.memory_space<vmem>> -> memref<512xi32, #tpu.memory_space<vmem>>
    %dma_wait3A_249 = tpu.memref_slice %arg2[%dma_wait3A, %mul3A_2] : memref<26x16384xi32, #tpu.memory_space<hbm>> -> memref<1x512xi32, #tpu.memory_space<hbm>>
    %dma_wait3A_250 = tpu.memref_squeeze %dma_wait3A_249 : memref<1x512xi32, #tpu.memory_space<hbm>> -> memref<512xi32, #tpu.memory_space<hbm>>
    tpu.wait_dma2 semaphore(%arg12 : memref<!tpu.dma_semaphore, #tpu.memory_space<semaphore_mem>>) src(%dma_wait3A_250 : memref<512xi32, #tpu.memory_space<hbm>>) dst(%dma_wait3A_248 : memref<512xi32, #tpu.memory_space<vmem>>)
    %dma_wait3A_251 = arith.constant 1 : i32
    %dma_wait3A_252 = arith.constant 512 : i32
    %dma_wait3A_253 = tpu.memref_slice %arg8[%dma_wait3A_252] : memref<13312xi32, #tpu.memory_space<vmem>> -> memref<512xi32, #tpu.memory_space<vmem>>
    %dma_wait3A_254 = tpu.memref_slice %arg2[%dma_wait3A_251, %mul3A_2] : memref<26x16384xi32, #tpu.memory_space<hbm>> -> memref<1x512xi32, #tpu.memory_space<hbm>>
    %dma_wait3A_255 = tpu.memref_squeeze %dma_wait3A_254 : memref<1x512xi32, #tpu.memory_space<hbm>> -> memref<512xi32, #tpu.memory_space<hbm>>
    %dma_wait3A_256 = arith.constant 512 : i32
    %dma_wait3A_257 = tpu.memref_slice %arg8[%dma_wait3A_256] : memref<13312xi32, #tpu.memory_space<vmem>> -> memref<512xi32, #tpu.memory_space<vmem>>
    %dma_wait3A_258 = tpu.memref_slice %arg2[%dma_wait3A_251, %mul3A_2] : memref<26x16384xi32, #tpu.memory_space<hbm>> -> memref<1x512xi32, #tpu.memory_space<hbm>>
    %dma_wait3A_259 = tpu.memref_squeeze %dma_wait3A_258 : memref<1x512xi32, #tpu.memory_space<hbm>> -> memref<512xi32, #tpu.memory_space<hbm>>
    tpu.wait_dma2 semaphore(%arg12 : memref<!tpu.dma_semaphore, #tpu.memory_space<semaphore_mem>>) src(%dma_wait3A_259 : memref<512xi32, #tpu.memory_space<hbm>>) dst(%dma_wait3A_257 : memref<512xi32, #tpu.memory_space<vmem>>)
    %dma_wait3A_260 = arith.constant 2 : i32
    %dma_wait3A_261 = arith.constant 1024 : i32
    %dma_wait3A_262 = tpu.memref_slice %arg8[%dma_wait3A_261] : memref<13312xi32, #tpu.memory_space<vmem>> -> memref<512xi32, #tpu.memory_space<vmem>>
    %dma_wait3A_263 = tpu.memref_slice %arg2[%dma_wait3A_260, %mul3A_2] : memref<26x16384xi32, #tpu.memory_space<hbm>> -> memref<1x512xi32, #tpu.memory_space<hbm>>
    %dma_wait3A_264 = tpu.memref_squeeze %dma_wait3A_263 : memref<1x512xi32, #tpu.memory_space<hbm>> -> memref<512xi32, #tpu.memory_space<hbm>>
    %dma_wait3A_265 = arith.constant 1024 : i32
    %dma_wait3A_266 = tpu.memref_slice %arg8[%dma_wait3A_265] : memref<13312xi32, #tpu.memory_space<vmem>> -> memref<512xi32, #tpu.memory_space<vmem>>
    %dma_wait3A_267 = tpu.memref_slice %arg2[%dma_wait3A_260, %mul3A_2] : memref<26x16384xi32, #tpu.memory_space<hbm>> -> memref<1x512xi32, #tpu.memory_space<hbm>>
    %dma_wait3A_268 = tpu.memref_squeeze %dma_wait3A_267 : memref<1x512xi32, #tpu.memory_space<hbm>> -> memref<512xi32, #tpu.memory_space<hbm>>
    tpu.wait_dma2 semaphore(%arg12 : memref<!tpu.dma_semaphore, #tpu.memory_space<semaphore_mem>>) src(%dma_wait3A_268 : memref<512xi32, #tpu.memory_space<hbm>>) dst(%dma_wait3A_266 : memref<512xi32, #tpu.memory_space<vmem>>)
    %dma_wait3A_269 = arith.constant 3 : i32
    %dma_wait3A_270 = arith.constant 1536 : i32
    %dma_wait3A_271 = tpu.memref_slice %arg8[%dma_wait3A_270] : memref<13312xi32, #tpu.memory_space<vmem>> -> memref<512xi32, #tpu.memory_space<vmem>>
    %dma_wait3A_272 = tpu.memref_slice %arg2[%dma_wait3A_269, %mul3A_2] : memref<26x16384xi32, #tpu.memory_space<hbm>> -> memref<1x512xi32, #tpu.memory_space<hbm>>
    %dma_wait3A_273 = tpu.memref_squeeze %dma_wait3A_272 : memref<1x512xi32, #tpu.memory_space<hbm>> -> memref<512xi32, #tpu.memory_space<hbm>>
    %dma_wait3A_274 = arith.constant 1536 : i32
    %dma_wait3A_275 = tpu.memref_slice %arg8[%dma_wait3A_274] : memref<13312xi32, #tpu.memory_space<vmem>> -> memref<512xi32, #tpu.memory_space<vmem>>
    %dma_wait3A_276 = tpu.memref_slice %arg2[%dma_wait3A_269, %mul3A_2] : memref<26x16384xi32, #tpu.memory_space<hbm>> -> memref<1x512xi32, #tpu.memory_space<hbm>>
    %dma_wait3A_277 = tpu.memref_squeeze %dma_wait3A_276 : memref<1x512xi32, #tpu.memory_space<hbm>> -> memref<512xi32, #tpu.memory_space<hbm>>
    tpu.wait_dma2 semaphore(%arg12 : memref<!tpu.dma_semaphore, #tpu.memory_space<semaphore_mem>>) src(%dma_wait3A_277 : memref<512xi32, #tpu.memory_space<hbm>>) dst(%dma_wait3A_275 : memref<512xi32, #tpu.memory_space<vmem>>)
    %dma_wait3A_278 = arith.constant 4 : i32
    %dma_wait3A_279 = arith.constant 2048 : i32
    %dma_wait3A_280 = tpu.memref_slice %arg8[%dma_wait3A_279] : memref<13312xi32, #tpu.memory_space<vmem>> -> memref<512xi32, #tpu.memory_space<vmem>>
    %dma_wait3A_281 = tpu.memref_slice %arg2[%dma_wait3A_278, %mul3A_2] : memref<26x16384xi32, #tpu.memory_space<hbm>> -> memref<1x512xi32, #tpu.memory_space<hbm>>
    %dma_wait3A_282 = tpu.memref_squeeze %dma_wait3A_281 : memref<1x512xi32, #tpu.memory_space<hbm>> -> memref<512xi32, #tpu.memory_space<hbm>>
    %dma_wait3A_283 = arith.constant 2048 : i32
    %dma_wait3A_284 = tpu.memref_slice %arg8[%dma_wait3A_283] : memref<13312xi32, #tpu.memory_space<vmem>> -> memref<512xi32, #tpu.memory_space<vmem>>
    %dma_wait3A_285 = tpu.memref_slice %arg2[%dma_wait3A_278, %mul3A_2] : memref<26x16384xi32, #tpu.memory_space<hbm>> -> memref<1x512xi32, #tpu.memory_space<hbm>>
    %dma_wait3A_286 = tpu.memref_squeeze %dma_wait3A_285 : memref<1x512xi32, #tpu.memory_space<hbm>> -> memref<512xi32, #tpu.memory_space<hbm>>
    tpu.wait_dma2 semaphore(%arg12 : memref<!tpu.dma_semaphore, #tpu.memory_space<semaphore_mem>>) src(%dma_wait3A_286 : memref<512xi32, #tpu.memory_space<hbm>>) dst(%dma_wait3A_284 : memref<512xi32, #tpu.memory_space<vmem>>)
    %dma_wait3A_287 = arith.constant 5 : i32
    %dma_wait3A_288 = arith.constant 2560 : i32
    %dma_wait3A_289 = tpu.memref_slice %arg8[%dma_wait3A_288] : memref<13312xi32, #tpu.memory_space<vmem>> -> memref<512xi32, #tpu.memory_space<vmem>>
    %dma_wait3A_290 = tpu.memref_slice %arg2[%dma_wait3A_287, %mul3A_2] : memref<26x16384xi32, #tpu.memory_space<hbm>> -> memref<1x512xi32, #tpu.memory_space<hbm>>
    %dma_wait3A_291 = tpu.memref_squeeze %dma_wait3A_290 : memref<1x512xi32, #tpu.memory_space<hbm>> -> memref<512xi32, #tpu.memory_space<hbm>>
    %dma_wait3A_292 = arith.constant 2560 : i32
    %dma_wait3A_293 = tpu.memref_slice %arg8[%dma_wait3A_292] : memref<13312xi32, #tpu.memory_space<vmem>> -> memref<512xi32, #tpu.memory_space<vmem>>
    %dma_wait3A_294 = tpu.memref_slice %arg2[%dma_wait3A_287, %mul3A_2] : memref<26x16384xi32, #tpu.memory_space<hbm>> -> memref<1x512xi32, #tpu.memory_space<hbm>>
    %dma_wait3A_295 = tpu.memref_squeeze %dma_wait3A_294 : memref<1x512xi32, #tpu.memory_space<hbm>> -> memref<512xi32, #tpu.memory_space<hbm>>
    tpu.wait_dma2 semaphore(%arg12 : memref<!tpu.dma_semaphore, #tpu.memory_space<semaphore_mem>>) src(%dma_wait3A_295 : memref<512xi32, #tpu.memory_space<hbm>>) dst(%dma_wait3A_293 : memref<512xi32, #tpu.memory_space<vmem>>)
    %dma_wait3A_296 = arith.constant 6 : i32
    %dma_wait3A_297 = arith.constant 3072 : i32
    %dma_wait3A_298 = tpu.memref_slice %arg8[%dma_wait3A_297] : memref<13312xi32, #tpu.memory_space<vmem>> -> memref<512xi32, #tpu.memory_space<vmem>>
    %dma_wait3A_299 = tpu.memref_slice %arg2[%dma_wait3A_296, %mul3A_2] : memref<26x16384xi32, #tpu.memory_space<hbm>> -> memref<1x512xi32, #tpu.memory_space<hbm>>
    %dma_wait3A_300 = tpu.memref_squeeze %dma_wait3A_299 : memref<1x512xi32, #tpu.memory_space<hbm>> -> memref<512xi32, #tpu.memory_space<hbm>>
    %dma_wait3A_301 = arith.constant 3072 : i32
    %dma_wait3A_302 = tpu.memref_slice %arg8[%dma_wait3A_301] : memref<13312xi32, #tpu.memory_space<vmem>> -> memref<512xi32, #tpu.memory_space<vmem>>
    %dma_wait3A_303 = tpu.memref_slice %arg2[%dma_wait3A_296, %mul3A_2] : memref<26x16384xi32, #tpu.memory_space<hbm>> -> memref<1x512xi32, #tpu.memory_space<hbm>>
    %dma_wait3A_304 = tpu.memref_squeeze %dma_wait3A_303 : memref<1x512xi32, #tpu.memory_space<hbm>> -> memref<512xi32, #tpu.memory_space<hbm>>
    tpu.wait_dma2 semaphore(%arg12 : memref<!tpu.dma_semaphore, #tpu.memory_space<semaphore_mem>>) src(%dma_wait3A_304 : memref<512xi32, #tpu.memory_space<hbm>>) dst(%dma_wait3A_302 : memref<512xi32, #tpu.memory_space<vmem>>)
    %dma_wait3A_305 = arith.constant 7 : i32
    %dma_wait3A_306 = arith.constant 3584 : i32
    %dma_wait3A_307 = tpu.memref_slice %arg8[%dma_wait3A_306] : memref<13312xi32, #tpu.memory_space<vmem>> -> memref<512xi32, #tpu.memory_space<vmem>>
    %dma_wait3A_308 = tpu.memref_slice %arg2[%dma_wait3A_305, %mul3A_2] : memref<26x16384xi32, #tpu.memory_space<hbm>> -> memref<1x512xi32, #tpu.memory_space<hbm>>
    %dma_wait3A_309 = tpu.memref_squeeze %dma_wait3A_308 : memref<1x512xi32, #tpu.memory_space<hbm>> -> memref<512xi32, #tpu.memory_space<hbm>>
    %dma_wait3A_310 = arith.constant 3584 : i32
    %dma_wait3A_311 = tpu.memref_slice %arg8[%dma_wait3A_310] : memref<13312xi32, #tpu.memory_space<vmem>> -> memref<512xi32, #tpu.memory_space<vmem>>
    %dma_wait3A_312 = tpu.memref_slice %arg2[%dma_wait3A_305, %mul3A_2] : memref<26x16384xi32, #tpu.memory_space<hbm>> -> memref<1x512xi32, #tpu.memory_space<hbm>>
    %dma_wait3A_313 = tpu.memref_squeeze %dma_wait3A_312 : memref<1x512xi32, #tpu.memory_space<hbm>> -> memref<512xi32, #tpu.memory_space<hbm>>
    tpu.wait_dma2 semaphore(%arg12 : memref<!tpu.dma_semaphore, #tpu.memory_space<semaphore_mem>>) src(%dma_wait3A_313 : memref<512xi32, #tpu.memory_space<hbm>>) dst(%dma_wait3A_311 : memref<512xi32, #tpu.memory_space<vmem>>)
    %dma_wait3A_314 = arith.constant 8 : i32
    %dma_wait3A_315 = arith.constant 4096 : i32
    %dma_wait3A_316 = tpu.memref_slice %arg8[%dma_wait3A_315] : memref<13312xi32, #tpu.memory_space<vmem>> -> memref<512xi32, #tpu.memory_space<vmem>>
    %dma_wait3A_317 = tpu.memref_slice %arg2[%dma_wait3A_314, %mul3A_2] : memref<26x16384xi32, #tpu.memory_space<hbm>> -> memref<1x512xi32, #tpu.memory_space<hbm>>
    %dma_wait3A_318 = tpu.memref_squeeze %dma_wait3A_317 : memref<1x512xi32, #tpu.memory_space<hbm>> -> memref<512xi32, #tpu.memory_space<hbm>>
    %dma_wait3A_319 = arith.constant 4096 : i32
    %dma_wait3A_320 = tpu.memref_slice %arg8[%dma_wait3A_319] : memref<13312xi32, #tpu.memory_space<vmem>> -> memref<512xi32, #tpu.memory_space<vmem>>
    %dma_wait3A_321 = tpu.memref_slice %arg2[%dma_wait3A_314, %mul3A_2] : memref<26x16384xi32, #tpu.memory_space<hbm>> -> memref<1x512xi32, #tpu.memory_space<hbm>>
    %dma_wait3A_322 = tpu.memref_squeeze %dma_wait3A_321 : memref<1x512xi32, #tpu.memory_space<hbm>> -> memref<512xi32, #tpu.memory_space<hbm>>
    tpu.wait_dma2 semaphore(%arg12 : memref<!tpu.dma_semaphore, #tpu.memory_space<semaphore_mem>>) src(%dma_wait3A_322 : memref<512xi32, #tpu.memory_space<hbm>>) dst(%dma_wait3A_320 : memref<512xi32, #tpu.memory_space<vmem>>)
    %dma_wait3A_323 = arith.constant 9 : i32
    %dma_wait3A_324 = arith.constant 4608 : i32
    %dma_wait3A_325 = tpu.memref_slice %arg8[%dma_wait3A_324] : memref<13312xi32, #tpu.memory_space<vmem>> -> memref<512xi32, #tpu.memory_space<vmem>>
    %dma_wait3A_326 = tpu.memref_slice %arg2[%dma_wait3A_323, %mul3A_2] : memref<26x16384xi32, #tpu.memory_space<hbm>> -> memref<1x512xi32, #tpu.memory_space<hbm>>
    %dma_wait3A_327 = tpu.memref_squeeze %dma_wait3A_326 : memref<1x512xi32, #tpu.memory_space<hbm>> -> memref<512xi32, #tpu.memory_space<hbm>>
    %dma_wait3A_328 = arith.constant 4608 : i32
    %dma_wait3A_329 = tpu.memref_slice %arg8[%dma_wait3A_328] : memref<13312xi32, #tpu.memory_space<vmem>> -> memref<512xi32, #tpu.memory_space<vmem>>
    %dma_wait3A_330 = tpu.memref_slice %arg2[%dma_wait3A_323, %mul3A_2] : memref<26x16384xi32, #tpu.memory_space<hbm>> -> memref<1x512xi32, #tpu.memory_space<hbm>>
    %dma_wait3A_331 = tpu.memref_squeeze %dma_wait3A_330 : memref<1x512xi32, #tpu.memory_space<hbm>> -> memref<512xi32, #tpu.memory_space<hbm>>
    tpu.wait_dma2 semaphore(%arg12 : memref<!tpu.dma_semaphore, #tpu.memory_space<semaphore_mem>>) src(%dma_wait3A_331 : memref<512xi32, #tpu.memory_space<hbm>>) dst(%dma_wait3A_329 : memref<512xi32, #tpu.memory_space<vmem>>)
    %dma_wait3A_332 = arith.constant 10 : i32
    %dma_wait3A_333 = arith.constant 5120 : i32
    %dma_wait3A_334 = tpu.memref_slice %arg8[%dma_wait3A_333] : memref<13312xi32, #tpu.memory_space<vmem>> -> memref<512xi32, #tpu.memory_space<vmem>>
    %dma_wait3A_335 = tpu.memref_slice %arg2[%dma_wait3A_332, %mul3A_2] : memref<26x16384xi32, #tpu.memory_space<hbm>> -> memref<1x512xi32, #tpu.memory_space<hbm>>
    %dma_wait3A_336 = tpu.memref_squeeze %dma_wait3A_335 : memref<1x512xi32, #tpu.memory_space<hbm>> -> memref<512xi32, #tpu.memory_space<hbm>>
    %dma_wait3A_337 = arith.constant 5120 : i32
    %dma_wait3A_338 = tpu.memref_slice %arg8[%dma_wait3A_337] : memref<13312xi32, #tpu.memory_space<vmem>> -> memref<512xi32, #tpu.memory_space<vmem>>
    %dma_wait3A_339 = tpu.memref_slice %arg2[%dma_wait3A_332, %mul3A_2] : memref<26x16384xi32, #tpu.memory_space<hbm>> -> memref<1x512xi32, #tpu.memory_space<hbm>>
    %dma_wait3A_340 = tpu.memref_squeeze %dma_wait3A_339 : memref<1x512xi32, #tpu.memory_space<hbm>> -> memref<512xi32, #tpu.memory_space<hbm>>
    tpu.wait_dma2 semaphore(%arg12 : memref<!tpu.dma_semaphore, #tpu.memory_space<semaphore_mem>>) src(%dma_wait3A_340 : memref<512xi32, #tpu.memory_space<hbm>>) dst(%dma_wait3A_338 : memref<512xi32, #tpu.memory_space<vmem>>)
    %dma_wait3A_341 = arith.constant 11 : i32
    %dma_wait3A_342 = arith.constant 5632 : i32
    %dma_wait3A_343 = tpu.memref_slice %arg8[%dma_wait3A_342] : memref<13312xi32, #tpu.memory_space<vmem>> -> memref<512xi32, #tpu.memory_space<vmem>>
    %dma_wait3A_344 = tpu.memref_slice %arg2[%dma_wait3A_341, %mul3A_2] : memref<26x16384xi32, #tpu.memory_space<hbm>> -> memref<1x512xi32, #tpu.memory_space<hbm>>
    %dma_wait3A_345 = tpu.memref_squeeze %dma_wait3A_344 : memref<1x512xi32, #tpu.memory_space<hbm>> -> memref<512xi32, #tpu.memory_space<hbm>>
    %dma_wait3A_346 = arith.constant 5632 : i32
    %dma_wait3A_347 = tpu.memref_slice %arg8[%dma_wait3A_346] : memref<13312xi32, #tpu.memory_space<vmem>> -> memref<512xi32, #tpu.memory_space<vmem>>
    %dma_wait3A_348 = tpu.memref_slice %arg2[%dma_wait3A_341, %mul3A_2] : memref<26x16384xi32, #tpu.memory_space<hbm>> -> memref<1x512xi32, #tpu.memory_space<hbm>>
    %dma_wait3A_349 = tpu.memref_squeeze %dma_wait3A_348 : memref<1x512xi32, #tpu.memory_space<hbm>> -> memref<512xi32, #tpu.memory_space<hbm>>
    tpu.wait_dma2 semaphore(%arg12 : memref<!tpu.dma_semaphore, #tpu.memory_space<semaphore_mem>>) src(%dma_wait3A_349 : memref<512xi32, #tpu.memory_space<hbm>>) dst(%dma_wait3A_347 : memref<512xi32, #tpu.memory_space<vmem>>)
    %dma_wait3A_350 = arith.constant 12 : i32
    %dma_wait3A_351 = arith.constant 6144 : i32
    %dma_wait3A_352 = tpu.memref_slice %arg8[%dma_wait3A_351] : memref<13312xi32, #tpu.memory_space<vmem>> -> memref<512xi32, #tpu.memory_space<vmem>>
    %dma_wait3A_353 = tpu.memref_slice %arg2[%dma_wait3A_350, %mul3A_2] : memref<26x16384xi32, #tpu.memory_space<hbm>> -> memref<1x512xi32, #tpu.memory_space<hbm>>
    %dma_wait3A_354 = tpu.memref_squeeze %dma_wait3A_353 : memref<1x512xi32, #tpu.memory_space<hbm>> -> memref<512xi32, #tpu.memory_space<hbm>>
    %dma_wait3A_355 = arith.constant 6144 : i32
    %dma_wait3A_356 = tpu.memref_slice %arg8[%dma_wait3A_355] : memref<13312xi32, #tpu.memory_space<vmem>> -> memref<512xi32, #tpu.memory_space<vmem>>
    %dma_wait3A_357 = tpu.memref_slice %arg2[%dma_wait3A_350, %mul3A_2] : memref<26x16384xi32, #tpu.memory_space<hbm>> -> memref<1x512xi32, #tpu.memory_space<hbm>>
    %dma_wait3A_358 = tpu.memref_squeeze %dma_wait3A_357 : memref<1x512xi32, #tpu.memory_space<hbm>> -> memref<512xi32, #tpu.memory_space<hbm>>
    tpu.wait_dma2 semaphore(%arg12 : memref<!tpu.dma_semaphore, #tpu.memory_space<semaphore_mem>>) src(%dma_wait3A_358 : memref<512xi32, #tpu.memory_space<hbm>>) dst(%dma_wait3A_356 : memref<512xi32, #tpu.memory_space<vmem>>)
    %dma_wait3A_359 = arith.constant 13 : i32
    %dma_wait3A_360 = arith.constant 6656 : i32
    %dma_wait3A_361 = tpu.memref_slice %arg8[%dma_wait3A_360] : memref<13312xi32, #tpu.memory_space<vmem>> -> memref<512xi32, #tpu.memory_space<vmem>>
    %dma_wait3A_362 = tpu.memref_slice %arg2[%dma_wait3A_359, %mul3A_2] : memref<26x16384xi32, #tpu.memory_space<hbm>> -> memref<1x512xi32, #tpu.memory_space<hbm>>
    %dma_wait3A_363 = tpu.memref_squeeze %dma_wait3A_362 : memref<1x512xi32, #tpu.memory_space<hbm>> -> memref<512xi32, #tpu.memory_space<hbm>>
    %dma_wait3A_364 = arith.constant 6656 : i32
    %dma_wait3A_365 = tpu.memref_slice %arg8[%dma_wait3A_364] : memref<13312xi32, #tpu.memory_space<vmem>> -> memref<512xi32, #tpu.memory_space<vmem>>
    %dma_wait3A_366 = tpu.memref_slice %arg2[%dma_wait3A_359, %mul3A_2] : memref<26x16384xi32, #tpu.memory_space<hbm>> -> memref<1x512xi32, #tpu.memory_space<hbm>>
    %dma_wait3A_367 = tpu.memref_squeeze %dma_wait3A_366 : memref<1x512xi32, #tpu.memory_space<hbm>> -> memref<512xi32, #tpu.memory_space<hbm>>
    tpu.wait_dma2 semaphore(%arg12 : memref<!tpu.dma_semaphore, #tpu.memory_space<semaphore_mem>>) src(%dma_wait3A_367 : memref<512xi32, #tpu.memory_space<hbm>>) dst(%dma_wait3A_365 : memref<512xi32, #tpu.memory_space<vmem>>)
    %dma_wait3A_368 = arith.constant 14 : i32
    %dma_wait3A_369 = arith.constant 7168 : i32
    %dma_wait3A_370 = tpu.memref_slice %arg8[%dma_wait3A_369] : memref<13312xi32, #tpu.memory_space<vmem>> -> memref<512xi32, #tpu.memory_space<vmem>>
    %dma_wait3A_371 = tpu.memref_slice %arg2[%dma_wait3A_368, %mul3A_2] : memref<26x16384xi32, #tpu.memory_space<hbm>> -> memref<1x512xi32, #tpu.memory_space<hbm>>
    %dma_wait3A_372 = tpu.memref_squeeze %dma_wait3A_371 : memref<1x512xi32, #tpu.memory_space<hbm>> -> memref<512xi32, #tpu.memory_space<hbm>>
    %dma_wait3A_373 = arith.constant 7168 : i32
    %dma_wait3A_374 = tpu.memref_slice %arg8[%dma_wait3A_373] : memref<13312xi32, #tpu.memory_space<vmem>> -> memref<512xi32, #tpu.memory_space<vmem>>
    %dma_wait3A_375 = tpu.memref_slice %arg2[%dma_wait3A_368, %mul3A_2] : memref<26x16384xi32, #tpu.memory_space<hbm>> -> memref<1x512xi32, #tpu.memory_space<hbm>>
    %dma_wait3A_376 = tpu.memref_squeeze %dma_wait3A_375 : memref<1x512xi32, #tpu.memory_space<hbm>> -> memref<512xi32, #tpu.memory_space<hbm>>
    tpu.wait_dma2 semaphore(%arg12 : memref<!tpu.dma_semaphore, #tpu.memory_space<semaphore_mem>>) src(%dma_wait3A_376 : memref<512xi32, #tpu.memory_space<hbm>>) dst(%dma_wait3A_374 : memref<512xi32, #tpu.memory_space<vmem>>)
    %dma_wait3A_377 = arith.constant 15 : i32
    %dma_wait3A_378 = arith.constant 7680 : i32
    %dma_wait3A_379 = tpu.memref_slice %arg8[%dma_wait3A_378] : memref<13312xi32, #tpu.memory_space<vmem>> -> memref<512xi32, #tpu.memory_space<vmem>>
    %dma_wait3A_380 = tpu.memref_slice %arg2[%dma_wait3A_377, %mul3A_2] : memref<26x16384xi32, #tpu.memory_space<hbm>> -> memref<1x512xi32, #tpu.memory_space<hbm>>
    %dma_wait3A_381 = tpu.memref_squeeze %dma_wait3A_380 : memref<1x512xi32, #tpu.memory_space<hbm>> -> memref<512xi32, #tpu.memory_space<hbm>>
    %dma_wait3A_382 = arith.constant 7680 : i32
    %dma_wait3A_383 = tpu.memref_slice %arg8[%dma_wait3A_382] : memref<13312xi32, #tpu.memory_space<vmem>> -> memref<512xi32, #tpu.memory_space<vmem>>
    %dma_wait3A_384 = tpu.memref_slice %arg2[%dma_wait3A_377, %mul3A_2] : memref<26x16384xi32, #tpu.memory_space<hbm>> -> memref<1x512xi32, #tpu.memory_space<hbm>>
    %dma_wait3A_385 = tpu.memref_squeeze %dma_wait3A_384 : memref<1x512xi32, #tpu.memory_space<hbm>> -> memref<512xi32, #tpu.memory_space<hbm>>
    tpu.wait_dma2 semaphore(%arg12 : memref<!tpu.dma_semaphore, #tpu.memory_space<semaphore_mem>>) src(%dma_wait3A_385 : memref<512xi32, #tpu.memory_space<hbm>>) dst(%dma_wait3A_383 : memref<512xi32, #tpu.memory_space<vmem>>)
    %dma_wait3A_386 = arith.constant 16 : i32
    %dma_wait3A_387 = arith.constant 8192 : i32
    %dma_wait3A_388 = tpu.memref_slice %arg8[%dma_wait3A_387] : memref<13312xi32, #tpu.memory_space<vmem>> -> memref<512xi32, #tpu.memory_space<vmem>>
    %dma_wait3A_389 = tpu.memref_slice %arg2[%dma_wait3A_386, %mul3A_2] : memref<26x16384xi32, #tpu.memory_space<hbm>> -> memref<1x512xi32, #tpu.memory_space<hbm>>
    %dma_wait3A_390 = tpu.memref_squeeze %dma_wait3A_389 : memref<1x512xi32, #tpu.memory_space<hbm>> -> memref<512xi32, #tpu.memory_space<hbm>>
    %dma_wait3A_391 = arith.constant 8192 : i32
    %dma_wait3A_392 = tpu.memref_slice %arg8[%dma_wait3A_391] : memref<13312xi32, #tpu.memory_space<vmem>> -> memref<512xi32, #tpu.memory_space<vmem>>
    %dma_wait3A_393 = tpu.memref_slice %arg2[%dma_wait3A_386, %mul3A_2] : memref<26x16384xi32, #tpu.memory_space<hbm>> -> memref<1x512xi32, #tpu.memory_space<hbm>>
    %dma_wait3A_394 = tpu.memref_squeeze %dma_wait3A_393 : memref<1x512xi32, #tpu.memory_space<hbm>> -> memref<512xi32, #tpu.memory_space<hbm>>
    tpu.wait_dma2 semaphore(%arg12 : memref<!tpu.dma_semaphore, #tpu.memory_space<semaphore_mem>>) src(%dma_wait3A_394 : memref<512xi32, #tpu.memory_space<hbm>>) dst(%dma_wait3A_392 : memref<512xi32, #tpu.memory_space<vmem>>)
    %dma_wait3A_395 = arith.constant 17 : i32
    %dma_wait3A_396 = arith.constant 8704 : i32
    %dma_wait3A_397 = tpu.memref_slice %arg8[%dma_wait3A_396] : memref<13312xi32, #tpu.memory_space<vmem>> -> memref<512xi32, #tpu.memory_space<vmem>>
    %dma_wait3A_398 = tpu.memref_slice %arg2[%dma_wait3A_395, %mul3A_2] : memref<26x16384xi32, #tpu.memory_space<hbm>> -> memref<1x512xi32, #tpu.memory_space<hbm>>
    %dma_wait3A_399 = tpu.memref_squeeze %dma_wait3A_398 : memref<1x512xi32, #tpu.memory_space<hbm>> -> memref<512xi32, #tpu.memory_space<hbm>>
    %dma_wait3A_400 = arith.constant 8704 : i32
    %dma_wait3A_401 = tpu.memref_slice %arg8[%dma_wait3A_400] : memref<13312xi32, #tpu.memory_space<vmem>> -> memref<512xi32, #tpu.memory_space<vmem>>
    %dma_wait3A_402 = tpu.memref_slice %arg2[%dma_wait3A_395, %mul3A_2] : memref<26x16384xi32, #tpu.memory_space<hbm>> -> memref<1x512xi32, #tpu.memory_space<hbm>>
    %dma_wait3A_403 = tpu.memref_squeeze %dma_wait3A_402 : memref<1x512xi32, #tpu.memory_space<hbm>> -> memref<512xi32, #tpu.memory_space<hbm>>
    tpu.wait_dma2 semaphore(%arg12 : memref<!tpu.dma_semaphore, #tpu.memory_space<semaphore_mem>>) src(%dma_wait3A_403 : memref<512xi32, #tpu.memory_space<hbm>>) dst(%dma_wait3A_401 : memref<512xi32, #tpu.memory_space<vmem>>)
    %dma_wait3A_404 = arith.constant 18 : i32
    %dma_wait3A_405 = arith.constant 9216 : i32
    %dma_wait3A_406 = tpu.memref_slice %arg8[%dma_wait3A_405] : memref<13312xi32, #tpu.memory_space<vmem>> -> memref<512xi32, #tpu.memory_space<vmem>>
    %dma_wait3A_407 = tpu.memref_slice %arg2[%dma_wait3A_404, %mul3A_2] : memref<26x16384xi32, #tpu.memory_space<hbm>> -> memref<1x512xi32, #tpu.memory_space<hbm>>
    %dma_wait3A_408 = tpu.memref_squeeze %dma_wait3A_407 : memref<1x512xi32, #tpu.memory_space<hbm>> -> memref<512xi32, #tpu.memory_space<hbm>>
    %dma_wait3A_409 = arith.constant 9216 : i32
    %dma_wait3A_410 = tpu.memref_slice %arg8[%dma_wait3A_409] : memref<13312xi32, #tpu.memory_space<vmem>> -> memref<512xi32, #tpu.memory_space<vmem>>
    %dma_wait3A_411 = tpu.memref_slice %arg2[%dma_wait3A_404, %mul3A_2] : memref<26x16384xi32, #tpu.memory_space<hbm>> -> memref<1x512xi32, #tpu.memory_space<hbm>>
    %dma_wait3A_412 = tpu.memref_squeeze %dma_wait3A_411 : memref<1x512xi32, #tpu.memory_space<hbm>> -> memref<512xi32, #tpu.memory_space<hbm>>
    tpu.wait_dma2 semaphore(%arg12 : memref<!tpu.dma_semaphore, #tpu.memory_space<semaphore_mem>>) src(%dma_wait3A_412 : memref<512xi32, #tpu.memory_space<hbm>>) dst(%dma_wait3A_410 : memref<512xi32, #tpu.memory_space<vmem>>)
    %dma_wait3A_413 = arith.constant 19 : i32
    %dma_wait3A_414 = arith.constant 9728 : i32
    %dma_wait3A_415 = tpu.memref_slice %arg8[%dma_wait3A_414] : memref<13312xi32, #tpu.memory_space<vmem>> -> memref<512xi32, #tpu.memory_space<vmem>>
    %dma_wait3A_416 = tpu.memref_slice %arg2[%dma_wait3A_413, %mul3A_2] : memref<26x16384xi32, #tpu.memory_space<hbm>> -> memref<1x512xi32, #tpu.memory_space<hbm>>
    %dma_wait3A_417 = tpu.memref_squeeze %dma_wait3A_416 : memref<1x512xi32, #tpu.memory_space<hbm>> -> memref<512xi32, #tpu.memory_space<hbm>>
    %dma_wait3A_418 = arith.constant 9728 : i32
    %dma_wait3A_419 = tpu.memref_slice %arg8[%dma_wait3A_418] : memref<13312xi32, #tpu.memory_space<vmem>> -> memref<512xi32, #tpu.memory_space<vmem>>
    %dma_wait3A_420 = tpu.memref_slice %arg2[%dma_wait3A_413, %mul3A_2] : memref<26x16384xi32, #tpu.memory_space<hbm>> -> memref<1x512xi32, #tpu.memory_space<hbm>>
    %dma_wait3A_421 = tpu.memref_squeeze %dma_wait3A_420 : memref<1x512xi32, #tpu.memory_space<hbm>> -> memref<512xi32, #tpu.memory_space<hbm>>
    tpu.wait_dma2 semaphore(%arg12 : memref<!tpu.dma_semaphore, #tpu.memory_space<semaphore_mem>>) src(%dma_wait3A_421 : memref<512xi32, #tpu.memory_space<hbm>>) dst(%dma_wait3A_419 : memref<512xi32, #tpu.memory_space<vmem>>)
    %dma_wait3A_422 = arith.constant 20 : i32
    %dma_wait3A_423 = arith.constant 10240 : i32
    %dma_wait3A_424 = tpu.memref_slice %arg8[%dma_wait3A_423] : memref<13312xi32, #tpu.memory_space<vmem>> -> memref<512xi32, #tpu.memory_space<vmem>>
    %dma_wait3A_425 = tpu.memref_slice %arg2[%dma_wait3A_422, %mul3A_2] : memref<26x16384xi32, #tpu.memory_space<hbm>> -> memref<1x512xi32, #tpu.memory_space<hbm>>
    %dma_wait3A_426 = tpu.memref_squeeze %dma_wait3A_425 : memref<1x512xi32, #tpu.memory_space<hbm>> -> memref<512xi32, #tpu.memory_space<hbm>>
    %dma_wait3A_427 = arith.constant 10240 : i32
    %dma_wait3A_428 = tpu.memref_slice %arg8[%dma_wait3A_427] : memref<13312xi32, #tpu.memory_space<vmem>> -> memref<512xi32, #tpu.memory_space<vmem>>
    %dma_wait3A_429 = tpu.memref_slice %arg2[%dma_wait3A_422, %mul3A_2] : memref<26x16384xi32, #tpu.memory_space<hbm>> -> memref<1x512xi32, #tpu.memory_space<hbm>>
    %dma_wait3A_430 = tpu.memref_squeeze %dma_wait3A_429 : memref<1x512xi32, #tpu.memory_space<hbm>> -> memref<512xi32, #tpu.memory_space<hbm>>
    tpu.wait_dma2 semaphore(%arg12 : memref<!tpu.dma_semaphore, #tpu.memory_space<semaphore_mem>>) src(%dma_wait3A_430 : memref<512xi32, #tpu.memory_space<hbm>>) dst(%dma_wait3A_428 : memref<512xi32, #tpu.memory_space<vmem>>)
    %dma_wait3A_431 = arith.constant 21 : i32
    %dma_wait3A_432 = arith.constant 10752 : i32
    %dma_wait3A_433 = tpu.memref_slice %arg8[%dma_wait3A_432] : memref<13312xi32, #tpu.memory_space<vmem>> -> memref<512xi32, #tpu.memory_space<vmem>>
    %dma_wait3A_434 = tpu.memref_slice %arg2[%dma_wait3A_431, %mul3A_2] : memref<26x16384xi32, #tpu.memory_space<hbm>> -> memref<1x512xi32, #tpu.memory_space<hbm>>
    %dma_wait3A_435 = tpu.memref_squeeze %dma_wait3A_434 : memref<1x512xi32, #tpu.memory_space<hbm>> -> memref<512xi32, #tpu.memory_space<hbm>>
    %dma_wait3A_436 = arith.constant 10752 : i32
    %dma_wait3A_437 = tpu.memref_slice %arg8[%dma_wait3A_436] : memref<13312xi32, #tpu.memory_space<vmem>> -> memref<512xi32, #tpu.memory_space<vmem>>
    %dma_wait3A_438 = tpu.memref_slice %arg2[%dma_wait3A_431, %mul3A_2] : memref<26x16384xi32, #tpu.memory_space<hbm>> -> memref<1x512xi32, #tpu.memory_space<hbm>>
    %dma_wait3A_439 = tpu.memref_squeeze %dma_wait3A_438 : memref<1x512xi32, #tpu.memory_space<hbm>> -> memref<512xi32, #tpu.memory_space<hbm>>
    tpu.wait_dma2 semaphore(%arg12 : memref<!tpu.dma_semaphore, #tpu.memory_space<semaphore_mem>>) src(%dma_wait3A_439 : memref<512xi32, #tpu.memory_space<hbm>>) dst(%dma_wait3A_437 : memref<512xi32, #tpu.memory_space<vmem>>)
    %dma_wait3A_440 = arith.constant 22 : i32
    %dma_wait3A_441 = arith.constant 11264 : i32
    %dma_wait3A_442 = tpu.memref_slice %arg8[%dma_wait3A_441] : memref<13312xi32, #tpu.memory_space<vmem>> -> memref<512xi32, #tpu.memory_space<vmem>>
    %dma_wait3A_443 = tpu.memref_slice %arg2[%dma_wait3A_440, %mul3A_2] : memref<26x16384xi32, #tpu.memory_space<hbm>> -> memref<1x512xi32, #tpu.memory_space<hbm>>
    %dma_wait3A_444 = tpu.memref_squeeze %dma_wait3A_443 : memref<1x512xi32, #tpu.memory_space<hbm>> -> memref<512xi32, #tpu.memory_space<hbm>>
    %dma_wait3A_445 = arith.constant 11264 : i32
    %dma_wait3A_446 = tpu.memref_slice %arg8[%dma_wait3A_445] : memref<13312xi32, #tpu.memory_space<vmem>> -> memref<512xi32, #tpu.memory_space<vmem>>
    %dma_wait3A_447 = tpu.memref_slice %arg2[%dma_wait3A_440, %mul3A_2] : memref<26x16384xi32, #tpu.memory_space<hbm>> -> memref<1x512xi32, #tpu.memory_space<hbm>>
    %dma_wait3A_448 = tpu.memref_squeeze %dma_wait3A_447 : memref<1x512xi32, #tpu.memory_space<hbm>> -> memref<512xi32, #tpu.memory_space<hbm>>
    tpu.wait_dma2 semaphore(%arg12 : memref<!tpu.dma_semaphore, #tpu.memory_space<semaphore_mem>>) src(%dma_wait3A_448 : memref<512xi32, #tpu.memory_space<hbm>>) dst(%dma_wait3A_446 : memref<512xi32, #tpu.memory_space<vmem>>)
    %dma_wait3A_449 = arith.constant 23 : i32
    %dma_wait3A_450 = arith.constant 11776 : i32
    %dma_wait3A_451 = tpu.memref_slice %arg8[%dma_wait3A_450] : memref<13312xi32, #tpu.memory_space<vmem>> -> memref<512xi32, #tpu.memory_space<vmem>>
    %dma_wait3A_452 = tpu.memref_slice %arg2[%dma_wait3A_449, %mul3A_2] : memref<26x16384xi32, #tpu.memory_space<hbm>> -> memref<1x512xi32, #tpu.memory_space<hbm>>
    %dma_wait3A_453 = tpu.memref_squeeze %dma_wait3A_452 : memref<1x512xi32, #tpu.memory_space<hbm>> -> memref<512xi32, #tpu.memory_space<hbm>>
    %dma_wait3A_454 = arith.constant 11776 : i32
    %dma_wait3A_455 = tpu.memref_slice %arg8[%dma_wait3A_454] : memref<13312xi32, #tpu.memory_space<vmem>> -> memref<512xi32, #tpu.memory_space<vmem>>
    %dma_wait3A_456 = tpu.memref_slice %arg2[%dma_wait3A_449, %mul3A_2] : memref<26x16384xi32, #tpu.memory_space<hbm>> -> memref<1x512xi32, #tpu.memory_space<hbm>>
    %dma_wait3A_457 = tpu.memref_squeeze %dma_wait3A_456 : memref<1x512xi32, #tpu.memory_space<hbm>> -> memref<512xi32, #tpu.memory_space<hbm>>
    tpu.wait_dma2 semaphore(%arg12 : memref<!tpu.dma_semaphore, #tpu.memory_space<semaphore_mem>>) src(%dma_wait3A_457 : memref<512xi32, #tpu.memory_space<hbm>>) dst(%dma_wait3A_455 : memref<512xi32, #tpu.memory_space<vmem>>)
    %dma_wait3A_458 = arith.constant 24 : i32
    %dma_wait3A_459 = arith.constant 12288 : i32
    %dma_wait3A_460 = tpu.memref_slice %arg8[%dma_wait3A_459] : memref<13312xi32, #tpu.memory_space<vmem>> -> memref<512xi32, #tpu.memory_space<vmem>>
    %dma_wait3A_461 = tpu.memref_slice %arg2[%dma_wait3A_458, %mul3A_2] : memref<26x16384xi32, #tpu.memory_space<hbm>> -> memref<1x512xi32, #tpu.memory_space<hbm>>
    %dma_wait3A_462 = tpu.memref_squeeze %dma_wait3A_461 : memref<1x512xi32, #tpu.memory_space<hbm>> -> memref<512xi32, #tpu.memory_space<hbm>>
    %dma_wait3A_463 = arith.constant 12288 : i32
    %dma_wait3A_464 = tpu.memref_slice %arg8[%dma_wait3A_463] : memref<13312xi32, #tpu.memory_space<vmem>> -> memref<512xi32, #tpu.memory_space<vmem>>
    %dma_wait3A_465 = tpu.memref_slice %arg2[%dma_wait3A_458, %mul3A_2] : memref<26x16384xi32, #tpu.memory_space<hbm>> -> memref<1x512xi32, #tpu.memory_space<hbm>>
    %dma_wait3A_466 = tpu.memref_squeeze %dma_wait3A_465 : memref<1x512xi32, #tpu.memory_space<hbm>> -> memref<512xi32, #tpu.memory_space<hbm>>
    tpu.wait_dma2 semaphore(%arg12 : memref<!tpu.dma_semaphore, #tpu.memory_space<semaphore_mem>>) src(%dma_wait3A_466 : memref<512xi32, #tpu.memory_space<hbm>>) dst(%dma_wait3A_464 : memref<512xi32, #tpu.memory_space<vmem>>)
    %dma_wait3A_467 = arith.constant 25 : i32
    %dma_wait3A_468 = arith.constant 12800 : i32
    %dma_wait3A_469 = tpu.memref_slice %arg8[%dma_wait3A_468] : memref<13312xi32, #tpu.memory_space<vmem>> -> memref<512xi32, #tpu.memory_space<vmem>>
    %dma_wait3A_470 = tpu.memref_slice %arg2[%dma_wait3A_467, %mul3A_2] : memref<26x16384xi32, #tpu.memory_space<hbm>> -> memref<1x512xi32, #tpu.memory_space<hbm>>
    %dma_wait3A_471 = tpu.memref_squeeze %dma_wait3A_470 : memref<1x512xi32, #tpu.memory_space<hbm>> -> memref<512xi32, #tpu.memory_space<hbm>>
    %dma_wait3A_472 = arith.constant 12800 : i32
    %dma_wait3A_473 = tpu.memref_slice %arg8[%dma_wait3A_472] : memref<13312xi32, #tpu.memory_space<vmem>> -> memref<512xi32, #tpu.memory_space<vmem>>
    %dma_wait3A_474 = tpu.memref_slice %arg2[%dma_wait3A_467, %mul3A_2] : memref<26x16384xi32, #tpu.memory_space<hbm>> -> memref<1x512xi32, #tpu.memory_space<hbm>>
    %dma_wait3A_475 = tpu.memref_squeeze %dma_wait3A_474 : memref<1x512xi32, #tpu.memory_space<hbm>> -> memref<512xi32, #tpu.memory_space<hbm>>
    tpu.wait_dma2 semaphore(%arg12 : memref<!tpu.dma_semaphore, #tpu.memory_space<semaphore_mem>>) src(%dma_wait3A_475 : memref<512xi32, #tpu.memory_space<hbm>>) dst(%dma_wait3A_473 : memref<512xi32, #tpu.memory_space<vmem>>)
    %dma_start3A_476 = arith.constant 0 : i32
    %dma_start3A_477 = tpu.memref_slice %arg3[%dma_start3A_476] : memref<1000000xi32, #tpu.memory_space<hbm>> -> memref<1000000xi32, #tpu.memory_space<hbm>>
    tpu.enqueue_indirect_dma source(%dma_start3A_477 : memref<1000000xi32, #tpu.memory_space<hbm>>) target(%arg9 : memref<13312xi32, #tpu.memory_space<vmem>>) offsets(%arg8 : memref<13312xi32, #tpu.memory_space<vmem>>) semaphore(%arg13 : memref<!tpu.dma_semaphore, #tpu.memory_space<semaphore_mem>>)
    %eq3A_478 = arith.constant 0 : i32
    %eq3A_479 = arith.cmpi eq, %arg1, %eq3A_478 : i32
    %convert_element_type3A_480 = arith.extui %eq3A_479 : i1 to i32
    %cond3A_481 = arith.constant 0 : i32
    %cond3A_482 = arith.cmpi ne, %convert_element_type3A_480, %cond3A_481 : i32
    scf.if %cond3A_482 {
      tpu.wait_dma2 semaphore(%arg15 : memref<!tpu.dma_semaphore, #tpu.memory_space<semaphore_mem>>) src(%arg4 : memref<1000000xf32, #tpu.memory_space<hbm>>) dst(%arg11 : memref<1000000xf32, #tpu.memory_space<vmem_shared>>)
    } else {
    }
    %barrier3A = arith.constant 0 : index
    tpu.barrier barrier_id(%barrier3A)
    %dma_start3A_483 = arith.constant 0 : i32
    %dma_start3A_484 = tpu.memref_slice %arg8[%dma_start3A_483] : memref<13312xi32, #tpu.memory_space<vmem>> -> memref<6656xi32, #tpu.memory_space<vmem>>
    %dma_start3A_485 = arith.constant 0 : i32
    %dma_start3A_486 = tpu.memref_slice %arg11[%dma_start3A_485] : memref<1000000xf32, #tpu.memory_space<vmem_shared>> -> memref<1000000xf32, #tpu.memory_space<vmem_shared>>
    tpu.enqueue_indirect_dma source(%arg10 : memref<6656xf32, #tpu.memory_space<vmem>>) target(%dma_start3A_486 : memref<1000000xf32, #tpu.memory_space<vmem_shared>>) offsets(%dma_start3A_484 : memref<6656xi32, #tpu.memory_space<vmem>>) semaphore(%arg14 : memref<!tpu.dma_semaphore, #tpu.memory_space<semaphore_mem>>) {add = true}
    %dma_start3A_487 = arith.constant 6656 : i32
    %dma_start3A_488 = tpu.memref_slice %arg8[%dma_start3A_487] : memref<13312xi32, #tpu.memory_space<vmem>> -> memref<6656xi32, #tpu.memory_space<vmem>>
    %dma_start3A_489 = arith.constant 0 : i32
    %dma_start3A_490 = tpu.memref_slice %arg11[%dma_start3A_489] : memref<1000000xf32, #tpu.memory_space<vmem_shared>> -> memref<1000000xf32, #tpu.memory_space<vmem_shared>>
    tpu.enqueue_indirect_dma source(%arg10 : memref<6656xf32, #tpu.memory_space<vmem>>) target(%dma_start3A_490 : memref<1000000xf32, #tpu.memory_space<vmem_shared>>) offsets(%dma_start3A_488 : memref<6656xi32, #tpu.memory_space<vmem>>) semaphore(%arg14 : memref<!tpu.dma_semaphore, #tpu.memory_space<semaphore_mem>>) {add = true}
    %dma_wait3A_491 = arith.constant 0 : i32
    %dma_wait3A_492 = tpu.memref_slice %arg3[%dma_wait3A_491] : memref<1000000xi32, #tpu.memory_space<hbm>> -> memref<1000000xi32, #tpu.memory_space<hbm>>
    tpu.wait_indirect_dma semaphore(%arg13 : memref<!tpu.dma_semaphore, #tpu.memory_space<semaphore_mem>>) src(%dma_wait3A_492 : memref<1000000xi32, #tpu.memory_space<hbm>>) dst(%arg9 : memref<13312xi32, #tpu.memory_space<vmem>>)
    %dma_start3A_493 = arith.constant 0 : i32
    %dma_start3A_494 = arith.constant 0 : i32
    %dma_start3A_495 = tpu.memref_slice %arg9[%dma_start3A_494] : memref<13312xi32, #tpu.memory_space<vmem>> -> memref<512xi32, #tpu.memory_space<vmem>>
    %dma_start3A_496 = tpu.memref_slice %arg5[%dma_start3A_493, %mul3A_2] : memref<26x16384xi32, #tpu.memory_space<hbm>> -> memref<1x512xi32, #tpu.memory_space<hbm>>
    %dma_start3A_497 = tpu.memref_squeeze %dma_start3A_496 : memref<1x512xi32, #tpu.memory_space<hbm>> -> memref<512xi32, #tpu.memory_space<hbm>>
    %dma_start3A_498 = tpu.memref_slice %arg5[%dma_start3A_493, %mul3A_2] : memref<26x16384xi32, #tpu.memory_space<hbm>> -> memref<1x512xi32, #tpu.memory_space<hbm>>
    %dma_start3A_499 = tpu.memref_squeeze %dma_start3A_498 : memref<1x512xi32, #tpu.memory_space<hbm>> -> memref<512xi32, #tpu.memory_space<hbm>>
    %dma_start3A_500 = arith.constant 0 : i32
    %dma_start3A_501 = tpu.memref_slice %arg9[%dma_start3A_500] : memref<13312xi32, #tpu.memory_space<vmem>> -> memref<512xi32, #tpu.memory_space<vmem>>
    tpu.enqueue_dma source(%dma_start3A_501 : memref<512xi32, #tpu.memory_space<vmem>>) target(%dma_start3A_499 : memref<512xi32, #tpu.memory_space<hbm>>) target_semaphore(%arg12 : memref<!tpu.dma_semaphore, #tpu.memory_space<semaphore_mem>>)
    %dma_start3A_502 = arith.constant 1 : i32
    %dma_start3A_503 = arith.constant 512 : i32
    %dma_start3A_504 = tpu.memref_slice %arg9[%dma_start3A_503] : memref<13312xi32, #tpu.memory_space<vmem>> -> memref<512xi32, #tpu.memory_space<vmem>>
    %dma_start3A_505 = tpu.memref_slice %arg5[%dma_start3A_502, %mul3A_2] : memref<26x16384xi32, #tpu.memory_space<hbm>> -> memref<1x512xi32, #tpu.memory_space<hbm>>
    %dma_start3A_506 = tpu.memref_squeeze %dma_start3A_505 : memref<1x512xi32, #tpu.memory_space<hbm>> -> memref<512xi32, #tpu.memory_space<hbm>>
    %dma_start3A_507 = tpu.memref_slice %arg5[%dma_start3A_502, %mul3A_2] : memref<26x16384xi32, #tpu.memory_space<hbm>> -> memref<1x512xi32, #tpu.memory_space<hbm>>
    %dma_start3A_508 = tpu.memref_squeeze %dma_start3A_507 : memref<1x512xi32, #tpu.memory_space<hbm>> -> memref<512xi32, #tpu.memory_space<hbm>>
    %dma_start3A_509 = arith.constant 512 : i32
    %dma_start3A_510 = tpu.memref_slice %arg9[%dma_start3A_509] : memref<13312xi32, #tpu.memory_space<vmem>> -> memref<512xi32, #tpu.memory_space<vmem>>
    tpu.enqueue_dma source(%dma_start3A_510 : memref<512xi32, #tpu.memory_space<vmem>>) target(%dma_start3A_508 : memref<512xi32, #tpu.memory_space<hbm>>) target_semaphore(%arg12 : memref<!tpu.dma_semaphore, #tpu.memory_space<semaphore_mem>>)
    %dma_start3A_511 = arith.constant 2 : i32
    %dma_start3A_512 = arith.constant 1024 : i32
    %dma_start3A_513 = tpu.memref_slice %arg9[%dma_start3A_512] : memref<13312xi32, #tpu.memory_space<vmem>> -> memref<512xi32, #tpu.memory_space<vmem>>
    %dma_start3A_514 = tpu.memref_slice %arg5[%dma_start3A_511, %mul3A_2] : memref<26x16384xi32, #tpu.memory_space<hbm>> -> memref<1x512xi32, #tpu.memory_space<hbm>>
    %dma_start3A_515 = tpu.memref_squeeze %dma_start3A_514 : memref<1x512xi32, #tpu.memory_space<hbm>> -> memref<512xi32, #tpu.memory_space<hbm>>
    %dma_start3A_516 = tpu.memref_slice %arg5[%dma_start3A_511, %mul3A_2] : memref<26x16384xi32, #tpu.memory_space<hbm>> -> memref<1x512xi32, #tpu.memory_space<hbm>>
    %dma_start3A_517 = tpu.memref_squeeze %dma_start3A_516 : memref<1x512xi32, #tpu.memory_space<hbm>> -> memref<512xi32, #tpu.memory_space<hbm>>
    %dma_start3A_518 = arith.constant 1024 : i32
    %dma_start3A_519 = tpu.memref_slice %arg9[%dma_start3A_518] : memref<13312xi32, #tpu.memory_space<vmem>> -> memref<512xi32, #tpu.memory_space<vmem>>
    tpu.enqueue_dma source(%dma_start3A_519 : memref<512xi32, #tpu.memory_space<vmem>>) target(%dma_start3A_517 : memref<512xi32, #tpu.memory_space<hbm>>) target_semaphore(%arg12 : memref<!tpu.dma_semaphore, #tpu.memory_space<semaphore_mem>>)
    %dma_start3A_520 = arith.constant 3 : i32
    %dma_start3A_521 = arith.constant 1536 : i32
    %dma_start3A_522 = tpu.memref_slice %arg9[%dma_start3A_521] : memref<13312xi32, #tpu.memory_space<vmem>> -> memref<512xi32, #tpu.memory_space<vmem>>
    %dma_start3A_523 = tpu.memref_slice %arg5[%dma_start3A_520, %mul3A_2] : memref<26x16384xi32, #tpu.memory_space<hbm>> -> memref<1x512xi32, #tpu.memory_space<hbm>>
    %dma_start3A_524 = tpu.memref_squeeze %dma_start3A_523 : memref<1x512xi32, #tpu.memory_space<hbm>> -> memref<512xi32, #tpu.memory_space<hbm>>
    %dma_start3A_525 = tpu.memref_slice %arg5[%dma_start3A_520, %mul3A_2] : memref<26x16384xi32, #tpu.memory_space<hbm>> -> memref<1x512xi32, #tpu.memory_space<hbm>>
    %dma_start3A_526 = tpu.memref_squeeze %dma_start3A_525 : memref<1x512xi32, #tpu.memory_space<hbm>> -> memref<512xi32, #tpu.memory_space<hbm>>
    %dma_start3A_527 = arith.constant 1536 : i32
    %dma_start3A_528 = tpu.memref_slice %arg9[%dma_start3A_527] : memref<13312xi32, #tpu.memory_space<vmem>> -> memref<512xi32, #tpu.memory_space<vmem>>
    tpu.enqueue_dma source(%dma_start3A_528 : memref<512xi32, #tpu.memory_space<vmem>>) target(%dma_start3A_526 : memref<512xi32, #tpu.memory_space<hbm>>) target_semaphore(%arg12 : memref<!tpu.dma_semaphore, #tpu.memory_space<semaphore_mem>>)
    %dma_start3A_529 = arith.constant 4 : i32
    %dma_start3A_530 = arith.constant 2048 : i32
    %dma_start3A_531 = tpu.memref_slice %arg9[%dma_start3A_530] : memref<13312xi32, #tpu.memory_space<vmem>> -> memref<512xi32, #tpu.memory_space<vmem>>
    %dma_start3A_532 = tpu.memref_slice %arg5[%dma_start3A_529, %mul3A_2] : memref<26x16384xi32, #tpu.memory_space<hbm>> -> memref<1x512xi32, #tpu.memory_space<hbm>>
    %dma_start3A_533 = tpu.memref_squeeze %dma_start3A_532 : memref<1x512xi32, #tpu.memory_space<hbm>> -> memref<512xi32, #tpu.memory_space<hbm>>
    %dma_start3A_534 = tpu.memref_slice %arg5[%dma_start3A_529, %mul3A_2] : memref<26x16384xi32, #tpu.memory_space<hbm>> -> memref<1x512xi32, #tpu.memory_space<hbm>>
    %dma_start3A_535 = tpu.memref_squeeze %dma_start3A_534 : memref<1x512xi32, #tpu.memory_space<hbm>> -> memref<512xi32, #tpu.memory_space<hbm>>
    %dma_start3A_536 = arith.constant 2048 : i32
    %dma_start3A_537 = tpu.memref_slice %arg9[%dma_start3A_536] : memref<13312xi32, #tpu.memory_space<vmem>> -> memref<512xi32, #tpu.memory_space<vmem>>
    tpu.enqueue_dma source(%dma_start3A_537 : memref<512xi32, #tpu.memory_space<vmem>>) target(%dma_start3A_535 : memref<512xi32, #tpu.memory_space<hbm>>) target_semaphore(%arg12 : memref<!tpu.dma_semaphore, #tpu.memory_space<semaphore_mem>>)
    %dma_start3A_538 = arith.constant 5 : i32
    %dma_start3A_539 = arith.constant 2560 : i32
    %dma_start3A_540 = tpu.memref_slice %arg9[%dma_start3A_539] : memref<13312xi32, #tpu.memory_space<vmem>> -> memref<512xi32, #tpu.memory_space<vmem>>
    %dma_start3A_541 = tpu.memref_slice %arg5[%dma_start3A_538, %mul3A_2] : memref<26x16384xi32, #tpu.memory_space<hbm>> -> memref<1x512xi32, #tpu.memory_space<hbm>>
    %dma_start3A_542 = tpu.memref_squeeze %dma_start3A_541 : memref<1x512xi32, #tpu.memory_space<hbm>> -> memref<512xi32, #tpu.memory_space<hbm>>
    %dma_start3A_543 = tpu.memref_slice %arg5[%dma_start3A_538, %mul3A_2] : memref<26x16384xi32, #tpu.memory_space<hbm>> -> memref<1x512xi32, #tpu.memory_space<hbm>>
    %dma_start3A_544 = tpu.memref_squeeze %dma_start3A_543 : memref<1x512xi32, #tpu.memory_space<hbm>> -> memref<512xi32, #tpu.memory_space<hbm>>
    %dma_start3A_545 = arith.constant 2560 : i32
    %dma_start3A_546 = tpu.memref_slice %arg9[%dma_start3A_545] : memref<13312xi32, #tpu.memory_space<vmem>> -> memref<512xi32, #tpu.memory_space<vmem>>
    tpu.enqueue_dma source(%dma_start3A_546 : memref<512xi32, #tpu.memory_space<vmem>>) target(%dma_start3A_544 : memref<512xi32, #tpu.memory_space<hbm>>) target_semaphore(%arg12 : memref<!tpu.dma_semaphore, #tpu.memory_space<semaphore_mem>>)
    %dma_start3A_547 = arith.constant 6 : i32
    %dma_start3A_548 = arith.constant 3072 : i32
    %dma_start3A_549 = tpu.memref_slice %arg9[%dma_start3A_548] : memref<13312xi32, #tpu.memory_space<vmem>> -> memref<512xi32, #tpu.memory_space<vmem>>
    %dma_start3A_550 = tpu.memref_slice %arg5[%dma_start3A_547, %mul3A_2] : memref<26x16384xi32, #tpu.memory_space<hbm>> -> memref<1x512xi32, #tpu.memory_space<hbm>>
    %dma_start3A_551 = tpu.memref_squeeze %dma_start3A_550 : memref<1x512xi32, #tpu.memory_space<hbm>> -> memref<512xi32, #tpu.memory_space<hbm>>
    %dma_start3A_552 = tpu.memref_slice %arg5[%dma_start3A_547, %mul3A_2] : memref<26x16384xi32, #tpu.memory_space<hbm>> -> memref<1x512xi32, #tpu.memory_space<hbm>>
    %dma_start3A_553 = tpu.memref_squeeze %dma_start3A_552 : memref<1x512xi32, #tpu.memory_space<hbm>> -> memref<512xi32, #tpu.memory_space<hbm>>
    %dma_start3A_554 = arith.constant 3072 : i32
    %dma_start3A_555 = tpu.memref_slice %arg9[%dma_start3A_554] : memref<13312xi32, #tpu.memory_space<vmem>> -> memref<512xi32, #tpu.memory_space<vmem>>
    tpu.enqueue_dma source(%dma_start3A_555 : memref<512xi32, #tpu.memory_space<vmem>>) target(%dma_start3A_553 : memref<512xi32, #tpu.memory_space<hbm>>) target_semaphore(%arg12 : memref<!tpu.dma_semaphore, #tpu.memory_space<semaphore_mem>>)
    %dma_start3A_556 = arith.constant 7 : i32
    %dma_start3A_557 = arith.constant 3584 : i32
    %dma_start3A_558 = tpu.memref_slice %arg9[%dma_start3A_557] : memref<13312xi32, #tpu.memory_space<vmem>> -> memref<512xi32, #tpu.memory_space<vmem>>
    %dma_start3A_559 = tpu.memref_slice %arg5[%dma_start3A_556, %mul3A_2] : memref<26x16384xi32, #tpu.memory_space<hbm>> -> memref<1x512xi32, #tpu.memory_space<hbm>>
    %dma_start3A_560 = tpu.memref_squeeze %dma_start3A_559 : memref<1x512xi32, #tpu.memory_space<hbm>> -> memref<512xi32, #tpu.memory_space<hbm>>
    %dma_start3A_561 = tpu.memref_slice %arg5[%dma_start3A_556, %mul3A_2] : memref<26x16384xi32, #tpu.memory_space<hbm>> -> memref<1x512xi32, #tpu.memory_space<hbm>>
    %dma_start3A_562 = tpu.memref_squeeze %dma_start3A_561 : memref<1x512xi32, #tpu.memory_space<hbm>> -> memref<512xi32, #tpu.memory_space<hbm>>
    %dma_start3A_563 = arith.constant 3584 : i32
    %dma_start3A_564 = tpu.memref_slice %arg9[%dma_start3A_563] : memref<13312xi32, #tpu.memory_space<vmem>> -> memref<512xi32, #tpu.memory_space<vmem>>
    tpu.enqueue_dma source(%dma_start3A_564 : memref<512xi32, #tpu.memory_space<vmem>>) target(%dma_start3A_562 : memref<512xi32, #tpu.memory_space<hbm>>) target_semaphore(%arg12 : memref<!tpu.dma_semaphore, #tpu.memory_space<semaphore_mem>>)
    %dma_start3A_565 = arith.constant 8 : i32
    %dma_start3A_566 = arith.constant 4096 : i32
    %dma_start3A_567 = tpu.memref_slice %arg9[%dma_start3A_566] : memref<13312xi32, #tpu.memory_space<vmem>> -> memref<512xi32, #tpu.memory_space<vmem>>
    %dma_start3A_568 = tpu.memref_slice %arg5[%dma_start3A_565, %mul3A_2] : memref<26x16384xi32, #tpu.memory_space<hbm>> -> memref<1x512xi32, #tpu.memory_space<hbm>>
    %dma_start3A_569 = tpu.memref_squeeze %dma_start3A_568 : memref<1x512xi32, #tpu.memory_space<hbm>> -> memref<512xi32, #tpu.memory_space<hbm>>
    %dma_start3A_570 = tpu.memref_slice %arg5[%dma_start3A_565, %mul3A_2] : memref<26x16384xi32, #tpu.memory_space<hbm>> -> memref<1x512xi32, #tpu.memory_space<hbm>>
    %dma_start3A_571 = tpu.memref_squeeze %dma_start3A_570 : memref<1x512xi32, #tpu.memory_space<hbm>> -> memref<512xi32, #tpu.memory_space<hbm>>
    %dma_start3A_572 = arith.constant 4096 : i32
    %dma_start3A_573 = tpu.memref_slice %arg9[%dma_start3A_572] : memref<13312xi32, #tpu.memory_space<vmem>> -> memref<512xi32, #tpu.memory_space<vmem>>
    tpu.enqueue_dma source(%dma_start3A_573 : memref<512xi32, #tpu.memory_space<vmem>>) target(%dma_start3A_571 : memref<512xi32, #tpu.memory_space<hbm>>) target_semaphore(%arg12 : memref<!tpu.dma_semaphore, #tpu.memory_space<semaphore_mem>>)
    %dma_start3A_574 = arith.constant 9 : i32
    %dma_start3A_575 = arith.constant 4608 : i32
    %dma_start3A_576 = tpu.memref_slice %arg9[%dma_start3A_575] : memref<13312xi32, #tpu.memory_space<vmem>> -> memref<512xi32, #tpu.memory_space<vmem>>
    %dma_start3A_577 = tpu.memref_slice %arg5[%dma_start3A_574, %mul3A_2] : memref<26x16384xi32, #tpu.memory_space<hbm>> -> memref<1x512xi32, #tpu.memory_space<hbm>>
    %dma_start3A_578 = tpu.memref_squeeze %dma_start3A_577 : memref<1x512xi32, #tpu.memory_space<hbm>> -> memref<512xi32, #tpu.memory_space<hbm>>
    %dma_start3A_579 = tpu.memref_slice %arg5[%dma_start3A_574, %mul3A_2] : memref<26x16384xi32, #tpu.memory_space<hbm>> -> memref<1x512xi32, #tpu.memory_space<hbm>>
    %dma_start3A_580 = tpu.memref_squeeze %dma_start3A_579 : memref<1x512xi32, #tpu.memory_space<hbm>> -> memref<512xi32, #tpu.memory_space<hbm>>
    %dma_start3A_581 = arith.constant 4608 : i32
    %dma_start3A_582 = tpu.memref_slice %arg9[%dma_start3A_581] : memref<13312xi32, #tpu.memory_space<vmem>> -> memref<512xi32, #tpu.memory_space<vmem>>
    tpu.enqueue_dma source(%dma_start3A_582 : memref<512xi32, #tpu.memory_space<vmem>>) target(%dma_start3A_580 : memref<512xi32, #tpu.memory_space<hbm>>) target_semaphore(%arg12 : memref<!tpu.dma_semaphore, #tpu.memory_space<semaphore_mem>>)
    %dma_start3A_583 = arith.constant 10 : i32
    %dma_start3A_584 = arith.constant 5120 : i32
    %dma_start3A_585 = tpu.memref_slice %arg9[%dma_start3A_584] : memref<13312xi32, #tpu.memory_space<vmem>> -> memref<512xi32, #tpu.memory_space<vmem>>
    %dma_start3A_586 = tpu.memref_slice %arg5[%dma_start3A_583, %mul3A_2] : memref<26x16384xi32, #tpu.memory_space<hbm>> -> memref<1x512xi32, #tpu.memory_space<hbm>>
    %dma_start3A_587 = tpu.memref_squeeze %dma_start3A_586 : memref<1x512xi32, #tpu.memory_space<hbm>> -> memref<512xi32, #tpu.memory_space<hbm>>
    %dma_start3A_588 = tpu.memref_slice %arg5[%dma_start3A_583, %mul3A_2] : memref<26x16384xi32, #tpu.memory_space<hbm>> -> memref<1x512xi32, #tpu.memory_space<hbm>>
    %dma_start3A_589 = tpu.memref_squeeze %dma_start3A_588 : memref<1x512xi32, #tpu.memory_space<hbm>> -> memref<512xi32, #tpu.memory_space<hbm>>
    %dma_start3A_590 = arith.constant 5120 : i32
    %dma_start3A_591 = tpu.memref_slice %arg9[%dma_start3A_590] : memref<13312xi32, #tpu.memory_space<vmem>> -> memref<512xi32, #tpu.memory_space<vmem>>
    tpu.enqueue_dma source(%dma_start3A_591 : memref<512xi32, #tpu.memory_space<vmem>>) target(%dma_start3A_589 : memref<512xi32, #tpu.memory_space<hbm>>) target_semaphore(%arg12 : memref<!tpu.dma_semaphore, #tpu.memory_space<semaphore_mem>>)
    %dma_start3A_592 = arith.constant 11 : i32
    %dma_start3A_593 = arith.constant 5632 : i32
    %dma_start3A_594 = tpu.memref_slice %arg9[%dma_start3A_593] : memref<13312xi32, #tpu.memory_space<vmem>> -> memref<512xi32, #tpu.memory_space<vmem>>
    %dma_start3A_595 = tpu.memref_slice %arg5[%dma_start3A_592, %mul3A_2] : memref<26x16384xi32, #tpu.memory_space<hbm>> -> memref<1x512xi32, #tpu.memory_space<hbm>>
    %dma_start3A_596 = tpu.memref_squeeze %dma_start3A_595 : memref<1x512xi32, #tpu.memory_space<hbm>> -> memref<512xi32, #tpu.memory_space<hbm>>
    %dma_start3A_597 = tpu.memref_slice %arg5[%dma_start3A_592, %mul3A_2] : memref<26x16384xi32, #tpu.memory_space<hbm>> -> memref<1x512xi32, #tpu.memory_space<hbm>>
    %dma_start3A_598 = tpu.memref_squeeze %dma_start3A_597 : memref<1x512xi32, #tpu.memory_space<hbm>> -> memref<512xi32, #tpu.memory_space<hbm>>
    %dma_start3A_599 = arith.constant 5632 : i32
    %dma_start3A_600 = tpu.memref_slice %arg9[%dma_start3A_599] : memref<13312xi32, #tpu.memory_space<vmem>> -> memref<512xi32, #tpu.memory_space<vmem>>
    tpu.enqueue_dma source(%dma_start3A_600 : memref<512xi32, #tpu.memory_space<vmem>>) target(%dma_start3A_598 : memref<512xi32, #tpu.memory_space<hbm>>) target_semaphore(%arg12 : memref<!tpu.dma_semaphore, #tpu.memory_space<semaphore_mem>>)
    %dma_start3A_601 = arith.constant 12 : i32
    %dma_start3A_602 = arith.constant 6144 : i32
    %dma_start3A_603 = tpu.memref_slice %arg9[%dma_start3A_602] : memref<13312xi32, #tpu.memory_space<vmem>> -> memref<512xi32, #tpu.memory_space<vmem>>
    %dma_start3A_604 = tpu.memref_slice %arg5[%dma_start3A_601, %mul3A_2] : memref<26x16384xi32, #tpu.memory_space<hbm>> -> memref<1x512xi32, #tpu.memory_space<hbm>>
    %dma_start3A_605 = tpu.memref_squeeze %dma_start3A_604 : memref<1x512xi32, #tpu.memory_space<hbm>> -> memref<512xi32, #tpu.memory_space<hbm>>
    %dma_start3A_606 = tpu.memref_slice %arg5[%dma_start3A_601, %mul3A_2] : memref<26x16384xi32, #tpu.memory_space<hbm>> -> memref<1x512xi32, #tpu.memory_space<hbm>>
    %dma_start3A_607 = tpu.memref_squeeze %dma_start3A_606 : memref<1x512xi32, #tpu.memory_space<hbm>> -> memref<512xi32, #tpu.memory_space<hbm>>
    %dma_start3A_608 = arith.constant 6144 : i32
    %dma_start3A_609 = tpu.memref_slice %arg9[%dma_start3A_608] : memref<13312xi32, #tpu.memory_space<vmem>> -> memref<512xi32, #tpu.memory_space<vmem>>
    tpu.enqueue_dma source(%dma_start3A_609 : memref<512xi32, #tpu.memory_space<vmem>>) target(%dma_start3A_607 : memref<512xi32, #tpu.memory_space<hbm>>) target_semaphore(%arg12 : memref<!tpu.dma_semaphore, #tpu.memory_space<semaphore_mem>>)
    %dma_start3A_610 = arith.constant 13 : i32
    %dma_start3A_611 = arith.constant 6656 : i32
    %dma_start3A_612 = tpu.memref_slice %arg9[%dma_start3A_611] : memref<13312xi32, #tpu.memory_space<vmem>> -> memref<512xi32, #tpu.memory_space<vmem>>
    %dma_start3A_613 = tpu.memref_slice %arg5[%dma_start3A_610, %mul3A_2] : memref<26x16384xi32, #tpu.memory_space<hbm>> -> memref<1x512xi32, #tpu.memory_space<hbm>>
    %dma_start3A_614 = tpu.memref_squeeze %dma_start3A_613 : memref<1x512xi32, #tpu.memory_space<hbm>> -> memref<512xi32, #tpu.memory_space<hbm>>
    %dma_start3A_615 = tpu.memref_slice %arg5[%dma_start3A_610, %mul3A_2] : memref<26x16384xi32, #tpu.memory_space<hbm>> -> memref<1x512xi32, #tpu.memory_space<hbm>>
    %dma_start3A_616 = tpu.memref_squeeze %dma_start3A_615 : memref<1x512xi32, #tpu.memory_space<hbm>> -> memref<512xi32, #tpu.memory_space<hbm>>
    %dma_start3A_617 = arith.constant 6656 : i32
    %dma_start3A_618 = tpu.memref_slice %arg9[%dma_start3A_617] : memref<13312xi32, #tpu.memory_space<vmem>> -> memref<512xi32, #tpu.memory_space<vmem>>
    tpu.enqueue_dma source(%dma_start3A_618 : memref<512xi32, #tpu.memory_space<vmem>>) target(%dma_start3A_616 : memref<512xi32, #tpu.memory_space<hbm>>) target_semaphore(%arg12 : memref<!tpu.dma_semaphore, #tpu.memory_space<semaphore_mem>>)
    %dma_start3A_619 = arith.constant 14 : i32
    %dma_start3A_620 = arith.constant 7168 : i32
    %dma_start3A_621 = tpu.memref_slice %arg9[%dma_start3A_620] : memref<13312xi32, #tpu.memory_space<vmem>> -> memref<512xi32, #tpu.memory_space<vmem>>
    %dma_start3A_622 = tpu.memref_slice %arg5[%dma_start3A_619, %mul3A_2] : memref<26x16384xi32, #tpu.memory_space<hbm>> -> memref<1x512xi32, #tpu.memory_space<hbm>>
    %dma_start3A_623 = tpu.memref_squeeze %dma_start3A_622 : memref<1x512xi32, #tpu.memory_space<hbm>> -> memref<512xi32, #tpu.memory_space<hbm>>
    %dma_start3A_624 = tpu.memref_slice %arg5[%dma_start3A_619, %mul3A_2] : memref<26x16384xi32, #tpu.memory_space<hbm>> -> memref<1x512xi32, #tpu.memory_space<hbm>>
    %dma_start3A_625 = tpu.memref_squeeze %dma_start3A_624 : memref<1x512xi32, #tpu.memory_space<hbm>> -> memref<512xi32, #tpu.memory_space<hbm>>
    %dma_start3A_626 = arith.constant 7168 : i32
    %dma_start3A_627 = tpu.memref_slice %arg9[%dma_start3A_626] : memref<13312xi32, #tpu.memory_space<vmem>> -> memref<512xi32, #tpu.memory_space<vmem>>
    tpu.enqueue_dma source(%dma_start3A_627 : memref<512xi32, #tpu.memory_space<vmem>>) target(%dma_start3A_625 : memref<512xi32, #tpu.memory_space<hbm>>) target_semaphore(%arg12 : memref<!tpu.dma_semaphore, #tpu.memory_space<semaphore_mem>>)
    %dma_start3A_628 = arith.constant 15 : i32
    %dma_start3A_629 = arith.constant 7680 : i32
    %dma_start3A_630 = tpu.memref_slice %arg9[%dma_start3A_629] : memref<13312xi32, #tpu.memory_space<vmem>> -> memref<512xi32, #tpu.memory_space<vmem>>
    %dma_start3A_631 = tpu.memref_slice %arg5[%dma_start3A_628, %mul3A_2] : memref<26x16384xi32, #tpu.memory_space<hbm>> -> memref<1x512xi32, #tpu.memory_space<hbm>>
    %dma_start3A_632 = tpu.memref_squeeze %dma_start3A_631 : memref<1x512xi32, #tpu.memory_space<hbm>> -> memref<512xi32, #tpu.memory_space<hbm>>
    %dma_start3A_633 = tpu.memref_slice %arg5[%dma_start3A_628, %mul3A_2] : memref<26x16384xi32, #tpu.memory_space<hbm>> -> memref<1x512xi32, #tpu.memory_space<hbm>>
    %dma_start3A_634 = tpu.memref_squeeze %dma_start3A_633 : memref<1x512xi32, #tpu.memory_space<hbm>> -> memref<512xi32, #tpu.memory_space<hbm>>
    %dma_start3A_635 = arith.constant 7680 : i32
    %dma_start3A_636 = tpu.memref_slice %arg9[%dma_start3A_635] : memref<13312xi32, #tpu.memory_space<vmem>> -> memref<512xi32, #tpu.memory_space<vmem>>
    tpu.enqueue_dma source(%dma_start3A_636 : memref<512xi32, #tpu.memory_space<vmem>>) target(%dma_start3A_634 : memref<512xi32, #tpu.memory_space<hbm>>) target_semaphore(%arg12 : memref<!tpu.dma_semaphore, #tpu.memory_space<semaphore_mem>>)
    %dma_start3A_637 = arith.constant 16 : i32
    %dma_start3A_638 = arith.constant 8192 : i32
    %dma_start3A_639 = tpu.memref_slice %arg9[%dma_start3A_638] : memref<13312xi32, #tpu.memory_space<vmem>> -> memref<512xi32, #tpu.memory_space<vmem>>
    %dma_start3A_640 = tpu.memref_slice %arg5[%dma_start3A_637, %mul3A_2] : memref<26x16384xi32, #tpu.memory_space<hbm>> -> memref<1x512xi32, #tpu.memory_space<hbm>>
    %dma_start3A_641 = tpu.memref_squeeze %dma_start3A_640 : memref<1x512xi32, #tpu.memory_space<hbm>> -> memref<512xi32, #tpu.memory_space<hbm>>
    %dma_start3A_642 = tpu.memref_slice %arg5[%dma_start3A_637, %mul3A_2] : memref<26x16384xi32, #tpu.memory_space<hbm>> -> memref<1x512xi32, #tpu.memory_space<hbm>>
    %dma_start3A_643 = tpu.memref_squeeze %dma_start3A_642 : memref<1x512xi32, #tpu.memory_space<hbm>> -> memref<512xi32, #tpu.memory_space<hbm>>
    %dma_start3A_644 = arith.constant 8192 : i32
    %dma_start3A_645 = tpu.memref_slice %arg9[%dma_start3A_644] : memref<13312xi32, #tpu.memory_space<vmem>> -> memref<512xi32, #tpu.memory_space<vmem>>
    tpu.enqueue_dma source(%dma_start3A_645 : memref<512xi32, #tpu.memory_space<vmem>>) target(%dma_start3A_643 : memref<512xi32, #tpu.memory_space<hbm>>) target_semaphore(%arg12 : memref<!tpu.dma_semaphore, #tpu.memory_space<semaphore_mem>>)
    %dma_start3A_646 = arith.constant 17 : i32
    %dma_start3A_647 = arith.constant 8704 : i32
    %dma_start3A_648 = tpu.memref_slice %arg9[%dma_start3A_647] : memref<13312xi32, #tpu.memory_space<vmem>> -> memref<512xi32, #tpu.memory_space<vmem>>
    %dma_start3A_649 = tpu.memref_slice %arg5[%dma_start3A_646, %mul3A_2] : memref<26x16384xi32, #tpu.memory_space<hbm>> -> memref<1x512xi32, #tpu.memory_space<hbm>>
    %dma_start3A_650 = tpu.memref_squeeze %dma_start3A_649 : memref<1x512xi32, #tpu.memory_space<hbm>> -> memref<512xi32, #tpu.memory_space<hbm>>
    %dma_start3A_651 = tpu.memref_slice %arg5[%dma_start3A_646, %mul3A_2] : memref<26x16384xi32, #tpu.memory_space<hbm>> -> memref<1x512xi32, #tpu.memory_space<hbm>>
    %dma_start3A_652 = tpu.memref_squeeze %dma_start3A_651 : memref<1x512xi32, #tpu.memory_space<hbm>> -> memref<512xi32, #tpu.memory_space<hbm>>
    %dma_start3A_653 = arith.constant 8704 : i32
    %dma_start3A_654 = tpu.memref_slice %arg9[%dma_start3A_653] : memref<13312xi32, #tpu.memory_space<vmem>> -> memref<512xi32, #tpu.memory_space<vmem>>
    tpu.enqueue_dma source(%dma_start3A_654 : memref<512xi32, #tpu.memory_space<vmem>>) target(%dma_start3A_652 : memref<512xi32, #tpu.memory_space<hbm>>) target_semaphore(%arg12 : memref<!tpu.dma_semaphore, #tpu.memory_space<semaphore_mem>>)
    %dma_start3A_655 = arith.constant 18 : i32
    %dma_start3A_656 = arith.constant 9216 : i32
    %dma_start3A_657 = tpu.memref_slice %arg9[%dma_start3A_656] : memref<13312xi32, #tpu.memory_space<vmem>> -> memref<512xi32, #tpu.memory_space<vmem>>
    %dma_start3A_658 = tpu.memref_slice %arg5[%dma_start3A_655, %mul3A_2] : memref<26x16384xi32, #tpu.memory_space<hbm>> -> memref<1x512xi32, #tpu.memory_space<hbm>>
    %dma_start3A_659 = tpu.memref_squeeze %dma_start3A_658 : memref<1x512xi32, #tpu.memory_space<hbm>> -> memref<512xi32, #tpu.memory_space<hbm>>
    %dma_start3A_660 = tpu.memref_slice %arg5[%dma_start3A_655, %mul3A_2] : memref<26x16384xi32, #tpu.memory_space<hbm>> -> memref<1x512xi32, #tpu.memory_space<hbm>>
    %dma_start3A_661 = tpu.memref_squeeze %dma_start3A_660 : memref<1x512xi32, #tpu.memory_space<hbm>> -> memref<512xi32, #tpu.memory_space<hbm>>
    %dma_start3A_662 = arith.constant 9216 : i32
    %dma_start3A_663 = tpu.memref_slice %arg9[%dma_start3A_662] : memref<13312xi32, #tpu.memory_space<vmem>> -> memref<512xi32, #tpu.memory_space<vmem>>
    tpu.enqueue_dma source(%dma_start3A_663 : memref<512xi32, #tpu.memory_space<vmem>>) target(%dma_start3A_661 : memref<512xi32, #tpu.memory_space<hbm>>) target_semaphore(%arg12 : memref<!tpu.dma_semaphore, #tpu.memory_space<semaphore_mem>>)
    %dma_start3A_664 = arith.constant 19 : i32
    %dma_start3A_665 = arith.constant 9728 : i32
    %dma_start3A_666 = tpu.memref_slice %arg9[%dma_start3A_665] : memref<13312xi32, #tpu.memory_space<vmem>> -> memref<512xi32, #tpu.memory_space<vmem>>
    %dma_start3A_667 = tpu.memref_slice %arg5[%dma_start3A_664, %mul3A_2] : memref<26x16384xi32, #tpu.memory_space<hbm>> -> memref<1x512xi32, #tpu.memory_space<hbm>>
    %dma_start3A_668 = tpu.memref_squeeze %dma_start3A_667 : memref<1x512xi32, #tpu.memory_space<hbm>> -> memref<512xi32, #tpu.memory_space<hbm>>
    %dma_start3A_669 = tpu.memref_slice %arg5[%dma_start3A_664, %mul3A_2] : memref<26x16384xi32, #tpu.memory_space<hbm>> -> memref<1x512xi32, #tpu.memory_space<hbm>>
    %dma_start3A_670 = tpu.memref_squeeze %dma_start3A_669 : memref<1x512xi32, #tpu.memory_space<hbm>> -> memref<512xi32, #tpu.memory_space<hbm>>
    %dma_start3A_671 = arith.constant 9728 : i32
    %dma_start3A_672 = tpu.memref_slice %arg9[%dma_start3A_671] : memref<13312xi32, #tpu.memory_space<vmem>> -> memref<512xi32, #tpu.memory_space<vmem>>
    tpu.enqueue_dma source(%dma_start3A_672 : memref<512xi32, #tpu.memory_space<vmem>>) target(%dma_start3A_670 : memref<512xi32, #tpu.memory_space<hbm>>) target_semaphore(%arg12 : memref<!tpu.dma_semaphore, #tpu.memory_space<semaphore_mem>>)
    %dma_start3A_673 = arith.constant 20 : i32
    %dma_start3A_674 = arith.constant 10240 : i32
    %dma_start3A_675 = tpu.memref_slice %arg9[%dma_start3A_674] : memref<13312xi32, #tpu.memory_space<vmem>> -> memref<512xi32, #tpu.memory_space<vmem>>
    %dma_start3A_676 = tpu.memref_slice %arg5[%dma_start3A_673, %mul3A_2] : memref<26x16384xi32, #tpu.memory_space<hbm>> -> memref<1x512xi32, #tpu.memory_space<hbm>>
    %dma_start3A_677 = tpu.memref_squeeze %dma_start3A_676 : memref<1x512xi32, #tpu.memory_space<hbm>> -> memref<512xi32, #tpu.memory_space<hbm>>
    %dma_start3A_678 = tpu.memref_slice %arg5[%dma_start3A_673, %mul3A_2] : memref<26x16384xi32, #tpu.memory_space<hbm>> -> memref<1x512xi32, #tpu.memory_space<hbm>>
    %dma_start3A_679 = tpu.memref_squeeze %dma_start3A_678 : memref<1x512xi32, #tpu.memory_space<hbm>> -> memref<512xi32, #tpu.memory_space<hbm>>
    %dma_start3A_680 = arith.constant 10240 : i32
    %dma_start3A_681 = tpu.memref_slice %arg9[%dma_start3A_680] : memref<13312xi32, #tpu.memory_space<vmem>> -> memref<512xi32, #tpu.memory_space<vmem>>
    tpu.enqueue_dma source(%dma_start3A_681 : memref<512xi32, #tpu.memory_space<vmem>>) target(%dma_start3A_679 : memref<512xi32, #tpu.memory_space<hbm>>) target_semaphore(%arg12 : memref<!tpu.dma_semaphore, #tpu.memory_space<semaphore_mem>>)
    %dma_start3A_682 = arith.constant 21 : i32
    %dma_start3A_683 = arith.constant 10752 : i32
    %dma_start3A_684 = tpu.memref_slice %arg9[%dma_start3A_683] : memref<13312xi32, #tpu.memory_space<vmem>> -> memref<512xi32, #tpu.memory_space<vmem>>
    %dma_start3A_685 = tpu.memref_slice %arg5[%dma_start3A_682, %mul3A_2] : memref<26x16384xi32, #tpu.memory_space<hbm>> -> memref<1x512xi32, #tpu.memory_space<hbm>>
    %dma_start3A_686 = tpu.memref_squeeze %dma_start3A_685 : memref<1x512xi32, #tpu.memory_space<hbm>> -> memref<512xi32, #tpu.memory_space<hbm>>
    %dma_start3A_687 = tpu.memref_slice %arg5[%dma_start3A_682, %mul3A_2] : memref<26x16384xi32, #tpu.memory_space<hbm>> -> memref<1x512xi32, #tpu.memory_space<hbm>>
    %dma_start3A_688 = tpu.memref_squeeze %dma_start3A_687 : memref<1x512xi32, #tpu.memory_space<hbm>> -> memref<512xi32, #tpu.memory_space<hbm>>
    %dma_start3A_689 = arith.constant 10752 : i32
    %dma_start3A_690 = tpu.memref_slice %arg9[%dma_start3A_689] : memref<13312xi32, #tpu.memory_space<vmem>> -> memref<512xi32, #tpu.memory_space<vmem>>
    tpu.enqueue_dma source(%dma_start3A_690 : memref<512xi32, #tpu.memory_space<vmem>>) target(%dma_start3A_688 : memref<512xi32, #tpu.memory_space<hbm>>) target_semaphore(%arg12 : memref<!tpu.dma_semaphore, #tpu.memory_space<semaphore_mem>>)
    %dma_start3A_691 = arith.constant 22 : i32
    %dma_start3A_692 = arith.constant 11264 : i32
    %dma_start3A_693 = tpu.memref_slice %arg9[%dma_start3A_692] : memref<13312xi32, #tpu.memory_space<vmem>> -> memref<512xi32, #tpu.memory_space<vmem>>
    %dma_start3A_694 = tpu.memref_slice %arg5[%dma_start3A_691, %mul3A_2] : memref<26x16384xi32, #tpu.memory_space<hbm>> -> memref<1x512xi32, #tpu.memory_space<hbm>>
    %dma_start3A_695 = tpu.memref_squeeze %dma_start3A_694 : memref<1x512xi32, #tpu.memory_space<hbm>> -> memref<512xi32, #tpu.memory_space<hbm>>
    %dma_start3A_696 = tpu.memref_slice %arg5[%dma_start3A_691, %mul3A_2] : memref<26x16384xi32, #tpu.memory_space<hbm>> -> memref<1x512xi32, #tpu.memory_space<hbm>>
    %dma_start3A_697 = tpu.memref_squeeze %dma_start3A_696 : memref<1x512xi32, #tpu.memory_space<hbm>> -> memref<512xi32, #tpu.memory_space<hbm>>
    %dma_start3A_698 = arith.constant 11264 : i32
    %dma_start3A_699 = tpu.memref_slice %arg9[%dma_start3A_698] : memref<13312xi32, #tpu.memory_space<vmem>> -> memref<512xi32, #tpu.memory_space<vmem>>
    tpu.enqueue_dma source(%dma_start3A_699 : memref<512xi32, #tpu.memory_space<vmem>>) target(%dma_start3A_697 : memref<512xi32, #tpu.memory_space<hbm>>) target_semaphore(%arg12 : memref<!tpu.dma_semaphore, #tpu.memory_space<semaphore_mem>>)
    %dma_start3A_700 = arith.constant 23 : i32
    %dma_start3A_701 = arith.constant 11776 : i32
    %dma_start3A_702 = tpu.memref_slice %arg9[%dma_start3A_701] : memref<13312xi32, #tpu.memory_space<vmem>> -> memref<512xi32, #tpu.memory_space<vmem>>
    %dma_start3A_703 = tpu.memref_slice %arg5[%dma_start3A_700, %mul3A_2] : memref<26x16384xi32, #tpu.memory_space<hbm>> -> memref<1x512xi32, #tpu.memory_space<hbm>>
    %dma_start3A_704 = tpu.memref_squeeze %dma_start3A_703 : memref<1x512xi32, #tpu.memory_space<hbm>> -> memref<512xi32, #tpu.memory_space<hbm>>
    %dma_start3A_705 = tpu.memref_slice %arg5[%dma_start3A_700, %mul3A_2] : memref<26x16384xi32, #tpu.memory_space<hbm>> -> memref<1x512xi32, #tpu.memory_space<hbm>>
    %dma_start3A_706 = tpu.memref_squeeze %dma_start3A_705 : memref<1x512xi32, #tpu.memory_space<hbm>> -> memref<512xi32, #tpu.memory_space<hbm>>
    %dma_start3A_707 = arith.constant 11776 : i32
    %dma_start3A_708 = tpu.memref_slice %arg9[%dma_start3A_707] : memref<13312xi32, #tpu.memory_space<vmem>> -> memref<512xi32, #tpu.memory_space<vmem>>
    tpu.enqueue_dma source(%dma_start3A_708 : memref<512xi32, #tpu.memory_space<vmem>>) target(%dma_start3A_706 : memref<512xi32, #tpu.memory_space<hbm>>) target_semaphore(%arg12 : memref<!tpu.dma_semaphore, #tpu.memory_space<semaphore_mem>>)
    %dma_start3A_709 = arith.constant 24 : i32
    %dma_start3A_710 = arith.constant 12288 : i32
    %dma_start3A_711 = tpu.memref_slice %arg9[%dma_start3A_710] : memref<13312xi32, #tpu.memory_space<vmem>> -> memref<512xi32, #tpu.memory_space<vmem>>
    %dma_start3A_712 = tpu.memref_slice %arg5[%dma_start3A_709, %mul3A_2] : memref<26x16384xi32, #tpu.memory_space<hbm>> -> memref<1x512xi32, #tpu.memory_space<hbm>>
    %dma_start3A_713 = tpu.memref_squeeze %dma_start3A_712 : memref<1x512xi32, #tpu.memory_space<hbm>> -> memref<512xi32, #tpu.memory_space<hbm>>
    %dma_start3A_714 = tpu.memref_slice %arg5[%dma_start3A_709, %mul3A_2] : memref<26x16384xi32, #tpu.memory_space<hbm>> -> memref<1x512xi32, #tpu.memory_space<hbm>>
    %dma_start3A_715 = tpu.memref_squeeze %dma_start3A_714 : memref<1x512xi32, #tpu.memory_space<hbm>> -> memref<512xi32, #tpu.memory_space<hbm>>
    %dma_start3A_716 = arith.constant 12288 : i32
    %dma_start3A_717 = tpu.memref_slice %arg9[%dma_start3A_716] : memref<13312xi32, #tpu.memory_space<vmem>> -> memref<512xi32, #tpu.memory_space<vmem>>
    tpu.enqueue_dma source(%dma_start3A_717 : memref<512xi32, #tpu.memory_space<vmem>>) target(%dma_start3A_715 : memref<512xi32, #tpu.memory_space<hbm>>) target_semaphore(%arg12 : memref<!tpu.dma_semaphore, #tpu.memory_space<semaphore_mem>>)
    %dma_start3A_718 = arith.constant 25 : i32
    %dma_start3A_719 = arith.constant 12800 : i32
    %dma_start3A_720 = tpu.memref_slice %arg9[%dma_start3A_719] : memref<13312xi32, #tpu.memory_space<vmem>> -> memref<512xi32, #tpu.memory_space<vmem>>
    %dma_start3A_721 = tpu.memref_slice %arg5[%dma_start3A_718, %mul3A_2] : memref<26x16384xi32, #tpu.memory_space<hbm>> -> memref<1x512xi32, #tpu.memory_space<hbm>>
    %dma_start3A_722 = tpu.memref_squeeze %dma_start3A_721 : memref<1x512xi32, #tpu.memory_space<hbm>> -> memref<512xi32, #tpu.memory_space<hbm>>
    %dma_start3A_723 = tpu.memref_slice %arg5[%dma_start3A_718, %mul3A_2] : memref<26x16384xi32, #tpu.memory_space<hbm>> -> memref<1x512xi32, #tpu.memory_space<hbm>>
    %dma_start3A_724 = tpu.memref_squeeze %dma_start3A_723 : memref<1x512xi32, #tpu.memory_space<hbm>> -> memref<512xi32, #tpu.memory_space<hbm>>
    %dma_start3A_725 = arith.constant 12800 : i32
    %dma_start3A_726 = tpu.memref_slice %arg9[%dma_start3A_725] : memref<13312xi32, #tpu.memory_space<vmem>> -> memref<512xi32, #tpu.memory_space<vmem>>
    tpu.enqueue_dma source(%dma_start3A_726 : memref<512xi32, #tpu.memory_space<vmem>>) target(%dma_start3A_724 : memref<512xi32, #tpu.memory_space<hbm>>) target_semaphore(%arg12 : memref<!tpu.dma_semaphore, #tpu.memory_space<semaphore_mem>>)
    %dma_wait3A_727 = arith.constant 0 : i32
    %dma_wait3A_728 = arith.constant 0 : i32
    %dma_wait3A_729 = tpu.memref_slice %arg9[%dma_wait3A_728] : memref<13312xi32, #tpu.memory_space<vmem>> -> memref<512xi32, #tpu.memory_space<vmem>>
    %dma_wait3A_730 = tpu.memref_slice %arg5[%dma_wait3A_727, %mul3A_2] : memref<26x16384xi32, #tpu.memory_space<hbm>> -> memref<1x512xi32, #tpu.memory_space<hbm>>
    %dma_wait3A_731 = tpu.memref_squeeze %dma_wait3A_730 : memref<1x512xi32, #tpu.memory_space<hbm>> -> memref<512xi32, #tpu.memory_space<hbm>>
    %dma_wait3A_732 = tpu.memref_slice %arg5[%dma_wait3A_727, %mul3A_2] : memref<26x16384xi32, #tpu.memory_space<hbm>> -> memref<1x512xi32, #tpu.memory_space<hbm>>
    %dma_wait3A_733 = tpu.memref_squeeze %dma_wait3A_732 : memref<1x512xi32, #tpu.memory_space<hbm>> -> memref<512xi32, #tpu.memory_space<hbm>>
    %dma_wait3A_734 = arith.constant 0 : i32
    %dma_wait3A_735 = tpu.memref_slice %arg9[%dma_wait3A_734] : memref<13312xi32, #tpu.memory_space<vmem>> -> memref<512xi32, #tpu.memory_space<vmem>>
    tpu.wait_dma2 semaphore(%arg12 : memref<!tpu.dma_semaphore, #tpu.memory_space<semaphore_mem>>) src(%dma_wait3A_735 : memref<512xi32, #tpu.memory_space<vmem>>) dst(%dma_wait3A_733 : memref<512xi32, #tpu.memory_space<hbm>>)
    %dma_wait3A_736 = arith.constant 1 : i32
    %dma_wait3A_737 = arith.constant 512 : i32
    %dma_wait3A_738 = tpu.memref_slice %arg9[%dma_wait3A_737] : memref<13312xi32, #tpu.memory_space<vmem>> -> memref<512xi32, #tpu.memory_space<vmem>>
    %dma_wait3A_739 = tpu.memref_slice %arg5[%dma_wait3A_736, %mul3A_2] : memref<26x16384xi32, #tpu.memory_space<hbm>> -> memref<1x512xi32, #tpu.memory_space<hbm>>
    %dma_wait3A_740 = tpu.memref_squeeze %dma_wait3A_739 : memref<1x512xi32, #tpu.memory_space<hbm>> -> memref<512xi32, #tpu.memory_space<hbm>>
    %dma_wait3A_741 = tpu.memref_slice %arg5[%dma_wait3A_736, %mul3A_2] : memref<26x16384xi32, #tpu.memory_space<hbm>> -> memref<1x512xi32, #tpu.memory_space<hbm>>
    %dma_wait3A_742 = tpu.memref_squeeze %dma_wait3A_741 : memref<1x512xi32, #tpu.memory_space<hbm>> -> memref<512xi32, #tpu.memory_space<hbm>>
    %dma_wait3A_743 = arith.constant 512 : i32
    %dma_wait3A_744 = tpu.memref_slice %arg9[%dma_wait3A_743] : memref<13312xi32, #tpu.memory_space<vmem>> -> memref<512xi32, #tpu.memory_space<vmem>>
    tpu.wait_dma2 semaphore(%arg12 : memref<!tpu.dma_semaphore, #tpu.memory_space<semaphore_mem>>) src(%dma_wait3A_744 : memref<512xi32, #tpu.memory_space<vmem>>) dst(%dma_wait3A_742 : memref<512xi32, #tpu.memory_space<hbm>>)
    %dma_wait3A_745 = arith.constant 2 : i32
    %dma_wait3A_746 = arith.constant 1024 : i32
    %dma_wait3A_747 = tpu.memref_slice %arg9[%dma_wait3A_746] : memref<13312xi32, #tpu.memory_space<vmem>> -> memref<512xi32, #tpu.memory_space<vmem>>
    %dma_wait3A_748 = tpu.memref_slice %arg5[%dma_wait3A_745, %mul3A_2] : memref<26x16384xi32, #tpu.memory_space<hbm>> -> memref<1x512xi32, #tpu.memory_space<hbm>>
    %dma_wait3A_749 = tpu.memref_squeeze %dma_wait3A_748 : memref<1x512xi32, #tpu.memory_space<hbm>> -> memref<512xi32, #tpu.memory_space<hbm>>
    %dma_wait3A_750 = tpu.memref_slice %arg5[%dma_wait3A_745, %mul3A_2] : memref<26x16384xi32, #tpu.memory_space<hbm>> -> memref<1x512xi32, #tpu.memory_space<hbm>>
    %dma_wait3A_751 = tpu.memref_squeeze %dma_wait3A_750 : memref<1x512xi32, #tpu.memory_space<hbm>> -> memref<512xi32, #tpu.memory_space<hbm>>
    %dma_wait3A_752 = arith.constant 1024 : i32
    %dma_wait3A_753 = tpu.memref_slice %arg9[%dma_wait3A_752] : memref<13312xi32, #tpu.memory_space<vmem>> -> memref<512xi32, #tpu.memory_space<vmem>>
    tpu.wait_dma2 semaphore(%arg12 : memref<!tpu.dma_semaphore, #tpu.memory_space<semaphore_mem>>) src(%dma_wait3A_753 : memref<512xi32, #tpu.memory_space<vmem>>) dst(%dma_wait3A_751 : memref<512xi32, #tpu.memory_space<hbm>>)
    %dma_wait3A_754 = arith.constant 3 : i32
    %dma_wait3A_755 = arith.constant 1536 : i32
    %dma_wait3A_756 = tpu.memref_slice %arg9[%dma_wait3A_755] : memref<13312xi32, #tpu.memory_space<vmem>> -> memref<512xi32, #tpu.memory_space<vmem>>
    %dma_wait3A_757 = tpu.memref_slice %arg5[%dma_wait3A_754, %mul3A_2] : memref<26x16384xi32, #tpu.memory_space<hbm>> -> memref<1x512xi32, #tpu.memory_space<hbm>>
    %dma_wait3A_758 = tpu.memref_squeeze %dma_wait3A_757 : memref<1x512xi32, #tpu.memory_space<hbm>> -> memref<512xi32, #tpu.memory_space<hbm>>
    %dma_wait3A_759 = tpu.memref_slice %arg5[%dma_wait3A_754, %mul3A_2] : memref<26x16384xi32, #tpu.memory_space<hbm>> -> memref<1x512xi32, #tpu.memory_space<hbm>>
    %dma_wait3A_760 = tpu.memref_squeeze %dma_wait3A_759 : memref<1x512xi32, #tpu.memory_space<hbm>> -> memref<512xi32, #tpu.memory_space<hbm>>
    %dma_wait3A_761 = arith.constant 1536 : i32
    %dma_wait3A_762 = tpu.memref_slice %arg9[%dma_wait3A_761] : memref<13312xi32, #tpu.memory_space<vmem>> -> memref<512xi32, #tpu.memory_space<vmem>>
    tpu.wait_dma2 semaphore(%arg12 : memref<!tpu.dma_semaphore, #tpu.memory_space<semaphore_mem>>) src(%dma_wait3A_762 : memref<512xi32, #tpu.memory_space<vmem>>) dst(%dma_wait3A_760 : memref<512xi32, #tpu.memory_space<hbm>>)
    %dma_wait3A_763 = arith.constant 4 : i32
    %dma_wait3A_764 = arith.constant 2048 : i32
    %dma_wait3A_765 = tpu.memref_slice %arg9[%dma_wait3A_764] : memref<13312xi32, #tpu.memory_space<vmem>> -> memref<512xi32, #tpu.memory_space<vmem>>
    %dma_wait3A_766 = tpu.memref_slice %arg5[%dma_wait3A_763, %mul3A_2] : memref<26x16384xi32, #tpu.memory_space<hbm>> -> memref<1x512xi32, #tpu.memory_space<hbm>>
    %dma_wait3A_767 = tpu.memref_squeeze %dma_wait3A_766 : memref<1x512xi32, #tpu.memory_space<hbm>> -> memref<512xi32, #tpu.memory_space<hbm>>
    %dma_wait3A_768 = tpu.memref_slice %arg5[%dma_wait3A_763, %mul3A_2] : memref<26x16384xi32, #tpu.memory_space<hbm>> -> memref<1x512xi32, #tpu.memory_space<hbm>>
    %dma_wait3A_769 = tpu.memref_squeeze %dma_wait3A_768 : memref<1x512xi32, #tpu.memory_space<hbm>> -> memref<512xi32, #tpu.memory_space<hbm>>
    %dma_wait3A_770 = arith.constant 2048 : i32
    %dma_wait3A_771 = tpu.memref_slice %arg9[%dma_wait3A_770] : memref<13312xi32, #tpu.memory_space<vmem>> -> memref<512xi32, #tpu.memory_space<vmem>>
    tpu.wait_dma2 semaphore(%arg12 : memref<!tpu.dma_semaphore, #tpu.memory_space<semaphore_mem>>) src(%dma_wait3A_771 : memref<512xi32, #tpu.memory_space<vmem>>) dst(%dma_wait3A_769 : memref<512xi32, #tpu.memory_space<hbm>>)
    %dma_wait3A_772 = arith.constant 5 : i32
    %dma_wait3A_773 = arith.constant 2560 : i32
    %dma_wait3A_774 = tpu.memref_slice %arg9[%dma_wait3A_773] : memref<13312xi32, #tpu.memory_space<vmem>> -> memref<512xi32, #tpu.memory_space<vmem>>
    %dma_wait3A_775 = tpu.memref_slice %arg5[%dma_wait3A_772, %mul3A_2] : memref<26x16384xi32, #tpu.memory_space<hbm>> -> memref<1x512xi32, #tpu.memory_space<hbm>>
    %dma_wait3A_776 = tpu.memref_squeeze %dma_wait3A_775 : memref<1x512xi32, #tpu.memory_space<hbm>> -> memref<512xi32, #tpu.memory_space<hbm>>
    %dma_wait3A_777 = tpu.memref_slice %arg5[%dma_wait3A_772, %mul3A_2] : memref<26x16384xi32, #tpu.memory_space<hbm>> -> memref<1x512xi32, #tpu.memory_space<hbm>>
    %dma_wait3A_778 = tpu.memref_squeeze %dma_wait3A_777 : memref<1x512xi32, #tpu.memory_space<hbm>> -> memref<512xi32, #tpu.memory_space<hbm>>
    %dma_wait3A_779 = arith.constant 2560 : i32
    %dma_wait3A_780 = tpu.memref_slice %arg9[%dma_wait3A_779] : memref<13312xi32, #tpu.memory_space<vmem>> -> memref<512xi32, #tpu.memory_space<vmem>>
    tpu.wait_dma2 semaphore(%arg12 : memref<!tpu.dma_semaphore, #tpu.memory_space<semaphore_mem>>) src(%dma_wait3A_780 : memref<512xi32, #tpu.memory_space<vmem>>) dst(%dma_wait3A_778 : memref<512xi32, #tpu.memory_space<hbm>>)
    %dma_wait3A_781 = arith.constant 6 : i32
    %dma_wait3A_782 = arith.constant 3072 : i32
    %dma_wait3A_783 = tpu.memref_slice %arg9[%dma_wait3A_782] : memref<13312xi32, #tpu.memory_space<vmem>> -> memref<512xi32, #tpu.memory_space<vmem>>
    %dma_wait3A_784 = tpu.memref_slice %arg5[%dma_wait3A_781, %mul3A_2] : memref<26x16384xi32, #tpu.memory_space<hbm>> -> memref<1x512xi32, #tpu.memory_space<hbm>>
    %dma_wait3A_785 = tpu.memref_squeeze %dma_wait3A_784 : memref<1x512xi32, #tpu.memory_space<hbm>> -> memref<512xi32, #tpu.memory_space<hbm>>
    %dma_wait3A_786 = tpu.memref_slice %arg5[%dma_wait3A_781, %mul3A_2] : memref<26x16384xi32, #tpu.memory_space<hbm>> -> memref<1x512xi32, #tpu.memory_space<hbm>>
    %dma_wait3A_787 = tpu.memref_squeeze %dma_wait3A_786 : memref<1x512xi32, #tpu.memory_space<hbm>> -> memref<512xi32, #tpu.memory_space<hbm>>
    %dma_wait3A_788 = arith.constant 3072 : i32
    %dma_wait3A_789 = tpu.memref_slice %arg9[%dma_wait3A_788] : memref<13312xi32, #tpu.memory_space<vmem>> -> memref<512xi32, #tpu.memory_space<vmem>>
    tpu.wait_dma2 semaphore(%arg12 : memref<!tpu.dma_semaphore, #tpu.memory_space<semaphore_mem>>) src(%dma_wait3A_789 : memref<512xi32, #tpu.memory_space<vmem>>) dst(%dma_wait3A_787 : memref<512xi32, #tpu.memory_space<hbm>>)
    %dma_wait3A_790 = arith.constant 7 : i32
    %dma_wait3A_791 = arith.constant 3584 : i32
    %dma_wait3A_792 = tpu.memref_slice %arg9[%dma_wait3A_791] : memref<13312xi32, #tpu.memory_space<vmem>> -> memref<512xi32, #tpu.memory_space<vmem>>
    %dma_wait3A_793 = tpu.memref_slice %arg5[%dma_wait3A_790, %mul3A_2] : memref<26x16384xi32, #tpu.memory_space<hbm>> -> memref<1x512xi32, #tpu.memory_space<hbm>>
    %dma_wait3A_794 = tpu.memref_squeeze %dma_wait3A_793 : memref<1x512xi32, #tpu.memory_space<hbm>> -> memref<512xi32, #tpu.memory_space<hbm>>
    %dma_wait3A_795 = tpu.memref_slice %arg5[%dma_wait3A_790, %mul3A_2] : memref<26x16384xi32, #tpu.memory_space<hbm>> -> memref<1x512xi32, #tpu.memory_space<hbm>>
    %dma_wait3A_796 = tpu.memref_squeeze %dma_wait3A_795 : memref<1x512xi32, #tpu.memory_space<hbm>> -> memref<512xi32, #tpu.memory_space<hbm>>
    %dma_wait3A_797 = arith.constant 3584 : i32
    %dma_wait3A_798 = tpu.memref_slice %arg9[%dma_wait3A_797] : memref<13312xi32, #tpu.memory_space<vmem>> -> memref<512xi32, #tpu.memory_space<vmem>>
    tpu.wait_dma2 semaphore(%arg12 : memref<!tpu.dma_semaphore, #tpu.memory_space<semaphore_mem>>) src(%dma_wait3A_798 : memref<512xi32, #tpu.memory_space<vmem>>) dst(%dma_wait3A_796 : memref<512xi32, #tpu.memory_space<hbm>>)
    %dma_wait3A_799 = arith.constant 8 : i32
    %dma_wait3A_800 = arith.constant 4096 : i32
    %dma_wait3A_801 = tpu.memref_slice %arg9[%dma_wait3A_800] : memref<13312xi32, #tpu.memory_space<vmem>> -> memref<512xi32, #tpu.memory_space<vmem>>
    %dma_wait3A_802 = tpu.memref_slice %arg5[%dma_wait3A_799, %mul3A_2] : memref<26x16384xi32, #tpu.memory_space<hbm>> -> memref<1x512xi32, #tpu.memory_space<hbm>>
    %dma_wait3A_803 = tpu.memref_squeeze %dma_wait3A_802 : memref<1x512xi32, #tpu.memory_space<hbm>> -> memref<512xi32, #tpu.memory_space<hbm>>
    %dma_wait3A_804 = tpu.memref_slice %arg5[%dma_wait3A_799, %mul3A_2] : memref<26x16384xi32, #tpu.memory_space<hbm>> -> memref<1x512xi32, #tpu.memory_space<hbm>>
    %dma_wait3A_805 = tpu.memref_squeeze %dma_wait3A_804 : memref<1x512xi32, #tpu.memory_space<hbm>> -> memref<512xi32, #tpu.memory_space<hbm>>
    %dma_wait3A_806 = arith.constant 4096 : i32
    %dma_wait3A_807 = tpu.memref_slice %arg9[%dma_wait3A_806] : memref<13312xi32, #tpu.memory_space<vmem>> -> memref<512xi32, #tpu.memory_space<vmem>>
    tpu.wait_dma2 semaphore(%arg12 : memref<!tpu.dma_semaphore, #tpu.memory_space<semaphore_mem>>) src(%dma_wait3A_807 : memref<512xi32, #tpu.memory_space<vmem>>) dst(%dma_wait3A_805 : memref<512xi32, #tpu.memory_space<hbm>>)
    %dma_wait3A_808 = arith.constant 9 : i32
    %dma_wait3A_809 = arith.constant 4608 : i32
    %dma_wait3A_810 = tpu.memref_slice %arg9[%dma_wait3A_809] : memref<13312xi32, #tpu.memory_space<vmem>> -> memref<512xi32, #tpu.memory_space<vmem>>
    %dma_wait3A_811 = tpu.memref_slice %arg5[%dma_wait3A_808, %mul3A_2] : memref<26x16384xi32, #tpu.memory_space<hbm>> -> memref<1x512xi32, #tpu.memory_space<hbm>>
    %dma_wait3A_812 = tpu.memref_squeeze %dma_wait3A_811 : memref<1x512xi32, #tpu.memory_space<hbm>> -> memref<512xi32, #tpu.memory_space<hbm>>
    %dma_wait3A_813 = tpu.memref_slice %arg5[%dma_wait3A_808, %mul3A_2] : memref<26x16384xi32, #tpu.memory_space<hbm>> -> memref<1x512xi32, #tpu.memory_space<hbm>>
    %dma_wait3A_814 = tpu.memref_squeeze %dma_wait3A_813 : memref<1x512xi32, #tpu.memory_space<hbm>> -> memref<512xi32, #tpu.memory_space<hbm>>
    %dma_wait3A_815 = arith.constant 4608 : i32
    %dma_wait3A_816 = tpu.memref_slice %arg9[%dma_wait3A_815] : memref<13312xi32, #tpu.memory_space<vmem>> -> memref<512xi32, #tpu.memory_space<vmem>>
    tpu.wait_dma2 semaphore(%arg12 : memref<!tpu.dma_semaphore, #tpu.memory_space<semaphore_mem>>) src(%dma_wait3A_816 : memref<512xi32, #tpu.memory_space<vmem>>) dst(%dma_wait3A_814 : memref<512xi32, #tpu.memory_space<hbm>>)
    %dma_wait3A_817 = arith.constant 10 : i32
    %dma_wait3A_818 = arith.constant 5120 : i32
    %dma_wait3A_819 = tpu.memref_slice %arg9[%dma_wait3A_818] : memref<13312xi32, #tpu.memory_space<vmem>> -> memref<512xi32, #tpu.memory_space<vmem>>
    %dma_wait3A_820 = tpu.memref_slice %arg5[%dma_wait3A_817, %mul3A_2] : memref<26x16384xi32, #tpu.memory_space<hbm>> -> memref<1x512xi32, #tpu.memory_space<hbm>>
    %dma_wait3A_821 = tpu.memref_squeeze %dma_wait3A_820 : memref<1x512xi32, #tpu.memory_space<hbm>> -> memref<512xi32, #tpu.memory_space<hbm>>
    %dma_wait3A_822 = tpu.memref_slice %arg5[%dma_wait3A_817, %mul3A_2] : memref<26x16384xi32, #tpu.memory_space<hbm>> -> memref<1x512xi32, #tpu.memory_space<hbm>>
    %dma_wait3A_823 = tpu.memref_squeeze %dma_wait3A_822 : memref<1x512xi32, #tpu.memory_space<hbm>> -> memref<512xi32, #tpu.memory_space<hbm>>
    %dma_wait3A_824 = arith.constant 5120 : i32
    %dma_wait3A_825 = tpu.memref_slice %arg9[%dma_wait3A_824] : memref<13312xi32, #tpu.memory_space<vmem>> -> memref<512xi32, #tpu.memory_space<vmem>>
    tpu.wait_dma2 semaphore(%arg12 : memref<!tpu.dma_semaphore, #tpu.memory_space<semaphore_mem>>) src(%dma_wait3A_825 : memref<512xi32, #tpu.memory_space<vmem>>) dst(%dma_wait3A_823 : memref<512xi32, #tpu.memory_space<hbm>>)
    %dma_wait3A_826 = arith.constant 11 : i32
    %dma_wait3A_827 = arith.constant 5632 : i32
    %dma_wait3A_828 = tpu.memref_slice %arg9[%dma_wait3A_827] : memref<13312xi32, #tpu.memory_space<vmem>> -> memref<512xi32, #tpu.memory_space<vmem>>
    %dma_wait3A_829 = tpu.memref_slice %arg5[%dma_wait3A_826, %mul3A_2] : memref<26x16384xi32, #tpu.memory_space<hbm>> -> memref<1x512xi32, #tpu.memory_space<hbm>>
    %dma_wait3A_830 = tpu.memref_squeeze %dma_wait3A_829 : memref<1x512xi32, #tpu.memory_space<hbm>> -> memref<512xi32, #tpu.memory_space<hbm>>
    %dma_wait3A_831 = tpu.memref_slice %arg5[%dma_wait3A_826, %mul3A_2] : memref<26x16384xi32, #tpu.memory_space<hbm>> -> memref<1x512xi32, #tpu.memory_space<hbm>>
    %dma_wait3A_832 = tpu.memref_squeeze %dma_wait3A_831 : memref<1x512xi32, #tpu.memory_space<hbm>> -> memref<512xi32, #tpu.memory_space<hbm>>
    %dma_wait3A_833 = arith.constant 5632 : i32
    %dma_wait3A_834 = tpu.memref_slice %arg9[%dma_wait3A_833] : memref<13312xi32, #tpu.memory_space<vmem>> -> memref<512xi32, #tpu.memory_space<vmem>>
    tpu.wait_dma2 semaphore(%arg12 : memref<!tpu.dma_semaphore, #tpu.memory_space<semaphore_mem>>) src(%dma_wait3A_834 : memref<512xi32, #tpu.memory_space<vmem>>) dst(%dma_wait3A_832 : memref<512xi32, #tpu.memory_space<hbm>>)
    %dma_wait3A_835 = arith.constant 12 : i32
    %dma_wait3A_836 = arith.constant 6144 : i32
    %dma_wait3A_837 = tpu.memref_slice %arg9[%dma_wait3A_836] : memref<13312xi32, #tpu.memory_space<vmem>> -> memref<512xi32, #tpu.memory_space<vmem>>
    %dma_wait3A_838 = tpu.memref_slice %arg5[%dma_wait3A_835, %mul3A_2] : memref<26x16384xi32, #tpu.memory_space<hbm>> -> memref<1x512xi32, #tpu.memory_space<hbm>>
    %dma_wait3A_839 = tpu.memref_squeeze %dma_wait3A_838 : memref<1x512xi32, #tpu.memory_space<hbm>> -> memref<512xi32, #tpu.memory_space<hbm>>
    %dma_wait3A_840 = tpu.memref_slice %arg5[%dma_wait3A_835, %mul3A_2] : memref<26x16384xi32, #tpu.memory_space<hbm>> -> memref<1x512xi32, #tpu.memory_space<hbm>>
    %dma_wait3A_841 = tpu.memref_squeeze %dma_wait3A_840 : memref<1x512xi32, #tpu.memory_space<hbm>> -> memref<512xi32, #tpu.memory_space<hbm>>
    %dma_wait3A_842 = arith.constant 6144 : i32
    %dma_wait3A_843 = tpu.memref_slice %arg9[%dma_wait3A_842] : memref<13312xi32, #tpu.memory_space<vmem>> -> memref<512xi32, #tpu.memory_space<vmem>>
    tpu.wait_dma2 semaphore(%arg12 : memref<!tpu.dma_semaphore, #tpu.memory_space<semaphore_mem>>) src(%dma_wait3A_843 : memref<512xi32, #tpu.memory_space<vmem>>) dst(%dma_wait3A_841 : memref<512xi32, #tpu.memory_space<hbm>>)
    %dma_wait3A_844 = arith.constant 13 : i32
    %dma_wait3A_845 = arith.constant 6656 : i32
    %dma_wait3A_846 = tpu.memref_slice %arg9[%dma_wait3A_845] : memref<13312xi32, #tpu.memory_space<vmem>> -> memref<512xi32, #tpu.memory_space<vmem>>
    %dma_wait3A_847 = tpu.memref_slice %arg5[%dma_wait3A_844, %mul3A_2] : memref<26x16384xi32, #tpu.memory_space<hbm>> -> memref<1x512xi32, #tpu.memory_space<hbm>>
    %dma_wait3A_848 = tpu.memref_squeeze %dma_wait3A_847 : memref<1x512xi32, #tpu.memory_space<hbm>> -> memref<512xi32, #tpu.memory_space<hbm>>
    %dma_wait3A_849 = tpu.memref_slice %arg5[%dma_wait3A_844, %mul3A_2] : memref<26x16384xi32, #tpu.memory_space<hbm>> -> memref<1x512xi32, #tpu.memory_space<hbm>>
    %dma_wait3A_850 = tpu.memref_squeeze %dma_wait3A_849 : memref<1x512xi32, #tpu.memory_space<hbm>> -> memref<512xi32, #tpu.memory_space<hbm>>
    %dma_wait3A_851 = arith.constant 6656 : i32
    %dma_wait3A_852 = tpu.memref_slice %arg9[%dma_wait3A_851] : memref<13312xi32, #tpu.memory_space<vmem>> -> memref<512xi32, #tpu.memory_space<vmem>>
    tpu.wait_dma2 semaphore(%arg12 : memref<!tpu.dma_semaphore, #tpu.memory_space<semaphore_mem>>) src(%dma_wait3A_852 : memref<512xi32, #tpu.memory_space<vmem>>) dst(%dma_wait3A_850 : memref<512xi32, #tpu.memory_space<hbm>>)
    %dma_wait3A_853 = arith.constant 14 : i32
    %dma_wait3A_854 = arith.constant 7168 : i32
    %dma_wait3A_855 = tpu.memref_slice %arg9[%dma_wait3A_854] : memref<13312xi32, #tpu.memory_space<vmem>> -> memref<512xi32, #tpu.memory_space<vmem>>
    %dma_wait3A_856 = tpu.memref_slice %arg5[%dma_wait3A_853, %mul3A_2] : memref<26x16384xi32, #tpu.memory_space<hbm>> -> memref<1x512xi32, #tpu.memory_space<hbm>>
    %dma_wait3A_857 = tpu.memref_squeeze %dma_wait3A_856 : memref<1x512xi32, #tpu.memory_space<hbm>> -> memref<512xi32, #tpu.memory_space<hbm>>
    %dma_wait3A_858 = tpu.memref_slice %arg5[%dma_wait3A_853, %mul3A_2] : memref<26x16384xi32, #tpu.memory_space<hbm>> -> memref<1x512xi32, #tpu.memory_space<hbm>>
    %dma_wait3A_859 = tpu.memref_squeeze %dma_wait3A_858 : memref<1x512xi32, #tpu.memory_space<hbm>> -> memref<512xi32, #tpu.memory_space<hbm>>
    %dma_wait3A_860 = arith.constant 7168 : i32
    %dma_wait3A_861 = tpu.memref_slice %arg9[%dma_wait3A_860] : memref<13312xi32, #tpu.memory_space<vmem>> -> memref<512xi32, #tpu.memory_space<vmem>>
    tpu.wait_dma2 semaphore(%arg12 : memref<!tpu.dma_semaphore, #tpu.memory_space<semaphore_mem>>) src(%dma_wait3A_861 : memref<512xi32, #tpu.memory_space<vmem>>) dst(%dma_wait3A_859 : memref<512xi32, #tpu.memory_space<hbm>>)
    %dma_wait3A_862 = arith.constant 15 : i32
    %dma_wait3A_863 = arith.constant 7680 : i32
    %dma_wait3A_864 = tpu.memref_slice %arg9[%dma_wait3A_863] : memref<13312xi32, #tpu.memory_space<vmem>> -> memref<512xi32, #tpu.memory_space<vmem>>
    %dma_wait3A_865 = tpu.memref_slice %arg5[%dma_wait3A_862, %mul3A_2] : memref<26x16384xi32, #tpu.memory_space<hbm>> -> memref<1x512xi32, #tpu.memory_space<hbm>>
    %dma_wait3A_866 = tpu.memref_squeeze %dma_wait3A_865 : memref<1x512xi32, #tpu.memory_space<hbm>> -> memref<512xi32, #tpu.memory_space<hbm>>
    %dma_wait3A_867 = tpu.memref_slice %arg5[%dma_wait3A_862, %mul3A_2] : memref<26x16384xi32, #tpu.memory_space<hbm>> -> memref<1x512xi32, #tpu.memory_space<hbm>>
    %dma_wait3A_868 = tpu.memref_squeeze %dma_wait3A_867 : memref<1x512xi32, #tpu.memory_space<hbm>> -> memref<512xi32, #tpu.memory_space<hbm>>
    %dma_wait3A_869 = arith.constant 7680 : i32
    %dma_wait3A_870 = tpu.memref_slice %arg9[%dma_wait3A_869] : memref<13312xi32, #tpu.memory_space<vmem>> -> memref<512xi32, #tpu.memory_space<vmem>>
    tpu.wait_dma2 semaphore(%arg12 : memref<!tpu.dma_semaphore, #tpu.memory_space<semaphore_mem>>) src(%dma_wait3A_870 : memref<512xi32, #tpu.memory_space<vmem>>) dst(%dma_wait3A_868 : memref<512xi32, #tpu.memory_space<hbm>>)
    %dma_wait3A_871 = arith.constant 16 : i32
    %dma_wait3A_872 = arith.constant 8192 : i32
    %dma_wait3A_873 = tpu.memref_slice %arg9[%dma_wait3A_872] : memref<13312xi32, #tpu.memory_space<vmem>> -> memref<512xi32, #tpu.memory_space<vmem>>
    %dma_wait3A_874 = tpu.memref_slice %arg5[%dma_wait3A_871, %mul3A_2] : memref<26x16384xi32, #tpu.memory_space<hbm>> -> memref<1x512xi32, #tpu.memory_space<hbm>>
    %dma_wait3A_875 = tpu.memref_squeeze %dma_wait3A_874 : memref<1x512xi32, #tpu.memory_space<hbm>> -> memref<512xi32, #tpu.memory_space<hbm>>
    %dma_wait3A_876 = tpu.memref_slice %arg5[%dma_wait3A_871, %mul3A_2] : memref<26x16384xi32, #tpu.memory_space<hbm>> -> memref<1x512xi32, #tpu.memory_space<hbm>>
    %dma_wait3A_877 = tpu.memref_squeeze %dma_wait3A_876 : memref<1x512xi32, #tpu.memory_space<hbm>> -> memref<512xi32, #tpu.memory_space<hbm>>
    %dma_wait3A_878 = arith.constant 8192 : i32
    %dma_wait3A_879 = tpu.memref_slice %arg9[%dma_wait3A_878] : memref<13312xi32, #tpu.memory_space<vmem>> -> memref<512xi32, #tpu.memory_space<vmem>>
    tpu.wait_dma2 semaphore(%arg12 : memref<!tpu.dma_semaphore, #tpu.memory_space<semaphore_mem>>) src(%dma_wait3A_879 : memref<512xi32, #tpu.memory_space<vmem>>) dst(%dma_wait3A_877 : memref<512xi32, #tpu.memory_space<hbm>>)
    %dma_wait3A_880 = arith.constant 17 : i32
    %dma_wait3A_881 = arith.constant 8704 : i32
    %dma_wait3A_882 = tpu.memref_slice %arg9[%dma_wait3A_881] : memref<13312xi32, #tpu.memory_space<vmem>> -> memref<512xi32, #tpu.memory_space<vmem>>
    %dma_wait3A_883 = tpu.memref_slice %arg5[%dma_wait3A_880, %mul3A_2] : memref<26x16384xi32, #tpu.memory_space<hbm>> -> memref<1x512xi32, #tpu.memory_space<hbm>>
    %dma_wait3A_884 = tpu.memref_squeeze %dma_wait3A_883 : memref<1x512xi32, #tpu.memory_space<hbm>> -> memref<512xi32, #tpu.memory_space<hbm>>
    %dma_wait3A_885 = tpu.memref_slice %arg5[%dma_wait3A_880, %mul3A_2] : memref<26x16384xi32, #tpu.memory_space<hbm>> -> memref<1x512xi32, #tpu.memory_space<hbm>>
    %dma_wait3A_886 = tpu.memref_squeeze %dma_wait3A_885 : memref<1x512xi32, #tpu.memory_space<hbm>> -> memref<512xi32, #tpu.memory_space<hbm>>
    %dma_wait3A_887 = arith.constant 8704 : i32
    %dma_wait3A_888 = tpu.memref_slice %arg9[%dma_wait3A_887] : memref<13312xi32, #tpu.memory_space<vmem>> -> memref<512xi32, #tpu.memory_space<vmem>>
    tpu.wait_dma2 semaphore(%arg12 : memref<!tpu.dma_semaphore, #tpu.memory_space<semaphore_mem>>) src(%dma_wait3A_888 : memref<512xi32, #tpu.memory_space<vmem>>) dst(%dma_wait3A_886 : memref<512xi32, #tpu.memory_space<hbm>>)
    %dma_wait3A_889 = arith.constant 18 : i32
    %dma_wait3A_890 = arith.constant 9216 : i32
    %dma_wait3A_891 = tpu.memref_slice %arg9[%dma_wait3A_890] : memref<13312xi32, #tpu.memory_space<vmem>> -> memref<512xi32, #tpu.memory_space<vmem>>
    %dma_wait3A_892 = tpu.memref_slice %arg5[%dma_wait3A_889, %mul3A_2] : memref<26x16384xi32, #tpu.memory_space<hbm>> -> memref<1x512xi32, #tpu.memory_space<hbm>>
    %dma_wait3A_893 = tpu.memref_squeeze %dma_wait3A_892 : memref<1x512xi32, #tpu.memory_space<hbm>> -> memref<512xi32, #tpu.memory_space<hbm>>
    %dma_wait3A_894 = tpu.memref_slice %arg5[%dma_wait3A_889, %mul3A_2] : memref<26x16384xi32, #tpu.memory_space<hbm>> -> memref<1x512xi32, #tpu.memory_space<hbm>>
    %dma_wait3A_895 = tpu.memref_squeeze %dma_wait3A_894 : memref<1x512xi32, #tpu.memory_space<hbm>> -> memref<512xi32, #tpu.memory_space<hbm>>
    %dma_wait3A_896 = arith.constant 9216 : i32
    %dma_wait3A_897 = tpu.memref_slice %arg9[%dma_wait3A_896] : memref<13312xi32, #tpu.memory_space<vmem>> -> memref<512xi32, #tpu.memory_space<vmem>>
    tpu.wait_dma2 semaphore(%arg12 : memref<!tpu.dma_semaphore, #tpu.memory_space<semaphore_mem>>) src(%dma_wait3A_897 : memref<512xi32, #tpu.memory_space<vmem>>) dst(%dma_wait3A_895 : memref<512xi32, #tpu.memory_space<hbm>>)
    %dma_wait3A_898 = arith.constant 19 : i32
    %dma_wait3A_899 = arith.constant 9728 : i32
    %dma_wait3A_900 = tpu.memref_slice %arg9[%dma_wait3A_899] : memref<13312xi32, #tpu.memory_space<vmem>> -> memref<512xi32, #tpu.memory_space<vmem>>
    %dma_wait3A_901 = tpu.memref_slice %arg5[%dma_wait3A_898, %mul3A_2] : memref<26x16384xi32, #tpu.memory_space<hbm>> -> memref<1x512xi32, #tpu.memory_space<hbm>>
    %dma_wait3A_902 = tpu.memref_squeeze %dma_wait3A_901 : memref<1x512xi32, #tpu.memory_space<hbm>> -> memref<512xi32, #tpu.memory_space<hbm>>
    %dma_wait3A_903 = tpu.memref_slice %arg5[%dma_wait3A_898, %mul3A_2] : memref<26x16384xi32, #tpu.memory_space<hbm>> -> memref<1x512xi32, #tpu.memory_space<hbm>>
    %dma_wait3A_904 = tpu.memref_squeeze %dma_wait3A_903 : memref<1x512xi32, #tpu.memory_space<hbm>> -> memref<512xi32, #tpu.memory_space<hbm>>
    %dma_wait3A_905 = arith.constant 9728 : i32
    %dma_wait3A_906 = tpu.memref_slice %arg9[%dma_wait3A_905] : memref<13312xi32, #tpu.memory_space<vmem>> -> memref<512xi32, #tpu.memory_space<vmem>>
    tpu.wait_dma2 semaphore(%arg12 : memref<!tpu.dma_semaphore, #tpu.memory_space<semaphore_mem>>) src(%dma_wait3A_906 : memref<512xi32, #tpu.memory_space<vmem>>) dst(%dma_wait3A_904 : memref<512xi32, #tpu.memory_space<hbm>>)
    %dma_wait3A_907 = arith.constant 20 : i32
    %dma_wait3A_908 = arith.constant 10240 : i32
    %dma_wait3A_909 = tpu.memref_slice %arg9[%dma_wait3A_908] : memref<13312xi32, #tpu.memory_space<vmem>> -> memref<512xi32, #tpu.memory_space<vmem>>
    %dma_wait3A_910 = tpu.memref_slice %arg5[%dma_wait3A_907, %mul3A_2] : memref<26x16384xi32, #tpu.memory_space<hbm>> -> memref<1x512xi32, #tpu.memory_space<hbm>>
    %dma_wait3A_911 = tpu.memref_squeeze %dma_wait3A_910 : memref<1x512xi32, #tpu.memory_space<hbm>> -> memref<512xi32, #tpu.memory_space<hbm>>
    %dma_wait3A_912 = tpu.memref_slice %arg5[%dma_wait3A_907, %mul3A_2] : memref<26x16384xi32, #tpu.memory_space<hbm>> -> memref<1x512xi32, #tpu.memory_space<hbm>>
    %dma_wait3A_913 = tpu.memref_squeeze %dma_wait3A_912 : memref<1x512xi32, #tpu.memory_space<hbm>> -> memref<512xi32, #tpu.memory_space<hbm>>
    %dma_wait3A_914 = arith.constant 10240 : i32
    %dma_wait3A_915 = tpu.memref_slice %arg9[%dma_wait3A_914] : memref<13312xi32, #tpu.memory_space<vmem>> -> memref<512xi32, #tpu.memory_space<vmem>>
    tpu.wait_dma2 semaphore(%arg12 : memref<!tpu.dma_semaphore, #tpu.memory_space<semaphore_mem>>) src(%dma_wait3A_915 : memref<512xi32, #tpu.memory_space<vmem>>) dst(%dma_wait3A_913 : memref<512xi32, #tpu.memory_space<hbm>>)
    %dma_wait3A_916 = arith.constant 21 : i32
    %dma_wait3A_917 = arith.constant 10752 : i32
    %dma_wait3A_918 = tpu.memref_slice %arg9[%dma_wait3A_917] : memref<13312xi32, #tpu.memory_space<vmem>> -> memref<512xi32, #tpu.memory_space<vmem>>
    %dma_wait3A_919 = tpu.memref_slice %arg5[%dma_wait3A_916, %mul3A_2] : memref<26x16384xi32, #tpu.memory_space<hbm>> -> memref<1x512xi32, #tpu.memory_space<hbm>>
    %dma_wait3A_920 = tpu.memref_squeeze %dma_wait3A_919 : memref<1x512xi32, #tpu.memory_space<hbm>> -> memref<512xi32, #tpu.memory_space<hbm>>
    %dma_wait3A_921 = tpu.memref_slice %arg5[%dma_wait3A_916, %mul3A_2] : memref<26x16384xi32, #tpu.memory_space<hbm>> -> memref<1x512xi32, #tpu.memory_space<hbm>>
    %dma_wait3A_922 = tpu.memref_squeeze %dma_wait3A_921 : memref<1x512xi32, #tpu.memory_space<hbm>> -> memref<512xi32, #tpu.memory_space<hbm>>
    %dma_wait3A_923 = arith.constant 10752 : i32
    %dma_wait3A_924 = tpu.memref_slice %arg9[%dma_wait3A_923] : memref<13312xi32, #tpu.memory_space<vmem>> -> memref<512xi32, #tpu.memory_space<vmem>>
    tpu.wait_dma2 semaphore(%arg12 : memref<!tpu.dma_semaphore, #tpu.memory_space<semaphore_mem>>) src(%dma_wait3A_924 : memref<512xi32, #tpu.memory_space<vmem>>) dst(%dma_wait3A_922 : memref<512xi32, #tpu.memory_space<hbm>>)
    %dma_wait3A_925 = arith.constant 22 : i32
    %dma_wait3A_926 = arith.constant 11264 : i32
    %dma_wait3A_927 = tpu.memref_slice %arg9[%dma_wait3A_926] : memref<13312xi32, #tpu.memory_space<vmem>> -> memref<512xi32, #tpu.memory_space<vmem>>
    %dma_wait3A_928 = tpu.memref_slice %arg5[%dma_wait3A_925, %mul3A_2] : memref<26x16384xi32, #tpu.memory_space<hbm>> -> memref<1x512xi32, #tpu.memory_space<hbm>>
    %dma_wait3A_929 = tpu.memref_squeeze %dma_wait3A_928 : memref<1x512xi32, #tpu.memory_space<hbm>> -> memref<512xi32, #tpu.memory_space<hbm>>
    %dma_wait3A_930 = tpu.memref_slice %arg5[%dma_wait3A_925, %mul3A_2] : memref<26x16384xi32, #tpu.memory_space<hbm>> -> memref<1x512xi32, #tpu.memory_space<hbm>>
    %dma_wait3A_931 = tpu.memref_squeeze %dma_wait3A_930 : memref<1x512xi32, #tpu.memory_space<hbm>> -> memref<512xi32, #tpu.memory_space<hbm>>
    %dma_wait3A_932 = arith.constant 11264 : i32
    %dma_wait3A_933 = tpu.memref_slice %arg9[%dma_wait3A_932] : memref<13312xi32, #tpu.memory_space<vmem>> -> memref<512xi32, #tpu.memory_space<vmem>>
    tpu.wait_dma2 semaphore(%arg12 : memref<!tpu.dma_semaphore, #tpu.memory_space<semaphore_mem>>) src(%dma_wait3A_933 : memref<512xi32, #tpu.memory_space<vmem>>) dst(%dma_wait3A_931 : memref<512xi32, #tpu.memory_space<hbm>>)
    %dma_wait3A_934 = arith.constant 23 : i32
    %dma_wait3A_935 = arith.constant 11776 : i32
    %dma_wait3A_936 = tpu.memref_slice %arg9[%dma_wait3A_935] : memref<13312xi32, #tpu.memory_space<vmem>> -> memref<512xi32, #tpu.memory_space<vmem>>
    %dma_wait3A_937 = tpu.memref_slice %arg5[%dma_wait3A_934, %mul3A_2] : memref<26x16384xi32, #tpu.memory_space<hbm>> -> memref<1x512xi32, #tpu.memory_space<hbm>>
    %dma_wait3A_938 = tpu.memref_squeeze %dma_wait3A_937 : memref<1x512xi32, #tpu.memory_space<hbm>> -> memref<512xi32, #tpu.memory_space<hbm>>
    %dma_wait3A_939 = tpu.memref_slice %arg5[%dma_wait3A_934, %mul3A_2] : memref<26x16384xi32, #tpu.memory_space<hbm>> -> memref<1x512xi32, #tpu.memory_space<hbm>>
    %dma_wait3A_940 = tpu.memref_squeeze %dma_wait3A_939 : memref<1x512xi32, #tpu.memory_space<hbm>> -> memref<512xi32, #tpu.memory_space<hbm>>
    %dma_wait3A_941 = arith.constant 11776 : i32
    %dma_wait3A_942 = tpu.memref_slice %arg9[%dma_wait3A_941] : memref<13312xi32, #tpu.memory_space<vmem>> -> memref<512xi32, #tpu.memory_space<vmem>>
    tpu.wait_dma2 semaphore(%arg12 : memref<!tpu.dma_semaphore, #tpu.memory_space<semaphore_mem>>) src(%dma_wait3A_942 : memref<512xi32, #tpu.memory_space<vmem>>) dst(%dma_wait3A_940 : memref<512xi32, #tpu.memory_space<hbm>>)
    %dma_wait3A_943 = arith.constant 24 : i32
    %dma_wait3A_944 = arith.constant 12288 : i32
    %dma_wait3A_945 = tpu.memref_slice %arg9[%dma_wait3A_944] : memref<13312xi32, #tpu.memory_space<vmem>> -> memref<512xi32, #tpu.memory_space<vmem>>
    %dma_wait3A_946 = tpu.memref_slice %arg5[%dma_wait3A_943, %mul3A_2] : memref<26x16384xi32, #tpu.memory_space<hbm>> -> memref<1x512xi32, #tpu.memory_space<hbm>>
    %dma_wait3A_947 = tpu.memref_squeeze %dma_wait3A_946 : memref<1x512xi32, #tpu.memory_space<hbm>> -> memref<512xi32, #tpu.memory_space<hbm>>
    %dma_wait3A_948 = tpu.memref_slice %arg5[%dma_wait3A_943, %mul3A_2] : memref<26x16384xi32, #tpu.memory_space<hbm>> -> memref<1x512xi32, #tpu.memory_space<hbm>>
    %dma_wait3A_949 = tpu.memref_squeeze %dma_wait3A_948 : memref<1x512xi32, #tpu.memory_space<hbm>> -> memref<512xi32, #tpu.memory_space<hbm>>
    %dma_wait3A_950 = arith.constant 12288 : i32
    %dma_wait3A_951 = tpu.memref_slice %arg9[%dma_wait3A_950] : memref<13312xi32, #tpu.memory_space<vmem>> -> memref<512xi32, #tpu.memory_space<vmem>>
    tpu.wait_dma2 semaphore(%arg12 : memref<!tpu.dma_semaphore, #tpu.memory_space<semaphore_mem>>) src(%dma_wait3A_951 : memref<512xi32, #tpu.memory_space<vmem>>) dst(%dma_wait3A_949 : memref<512xi32, #tpu.memory_space<hbm>>)
    %dma_wait3A_952 = arith.constant 25 : i32
    %dma_wait3A_953 = arith.constant 12800 : i32
    %dma_wait3A_954 = tpu.memref_slice %arg9[%dma_wait3A_953] : memref<13312xi32, #tpu.memory_space<vmem>> -> memref<512xi32, #tpu.memory_space<vmem>>
    %dma_wait3A_955 = tpu.memref_slice %arg5[%dma_wait3A_952, %mul3A_2] : memref<26x16384xi32, #tpu.memory_space<hbm>> -> memref<1x512xi32, #tpu.memory_space<hbm>>
    %dma_wait3A_956 = tpu.memref_squeeze %dma_wait3A_955 : memref<1x512xi32, #tpu.memory_space<hbm>> -> memref<512xi32, #tpu.memory_space<hbm>>
    %dma_wait3A_957 = tpu.memref_slice %arg5[%dma_wait3A_952, %mul3A_2] : memref<26x16384xi32, #tpu.memory_space<hbm>> -> memref<1x512xi32, #tpu.memory_space<hbm>>
    %dma_wait3A_958 = tpu.memref_squeeze %dma_wait3A_957 : memref<1x512xi32, #tpu.memory_space<hbm>> -> memref<512xi32, #tpu.memory_space<hbm>>
    %dma_wait3A_959 = arith.constant 12800 : i32
    %dma_wait3A_960 = tpu.memref_slice %arg9[%dma_wait3A_959] : memref<13312xi32, #tpu.memory_space<vmem>> -> memref<512xi32, #tpu.memory_space<vmem>>
    tpu.wait_dma2 semaphore(%arg12 : memref<!tpu.dma_semaphore, #tpu.memory_space<semaphore_mem>>) src(%dma_wait3A_960 : memref<512xi32, #tpu.memory_space<vmem>>) dst(%dma_wait3A_958 : memref<512xi32, #tpu.memory_space<hbm>>)
    %dma_wait3A_961 = arith.constant 0 : i32
    %dma_wait3A_962 = tpu.memref_slice %arg8[%dma_wait3A_961] : memref<13312xi32, #tpu.memory_space<vmem>> -> memref<6656xi32, #tpu.memory_space<vmem>>
    %dma_wait3A_963 = arith.constant 0 : i32
    %dma_wait3A_964 = tpu.memref_slice %arg11[%dma_wait3A_963] : memref<1000000xf32, #tpu.memory_space<vmem_shared>> -> memref<1000000xf32, #tpu.memory_space<vmem_shared>>
    tpu.wait_indirect_dma semaphore(%arg14 : memref<!tpu.dma_semaphore, #tpu.memory_space<semaphore_mem>>) src(%arg10 : memref<6656xf32, #tpu.memory_space<vmem>>) dst(%dma_wait3A_964 : memref<1000000xf32, #tpu.memory_space<vmem_shared>>)
    %dma_wait3A_965 = arith.constant 6656 : i32
    %dma_wait3A_966 = tpu.memref_slice %arg8[%dma_wait3A_965] : memref<13312xi32, #tpu.memory_space<vmem>> -> memref<6656xi32, #tpu.memory_space<vmem>>
    %dma_wait3A_967 = arith.constant 0 : i32
    %dma_wait3A_968 = tpu.memref_slice %arg11[%dma_wait3A_967] : memref<1000000xf32, #tpu.memory_space<vmem_shared>> -> memref<1000000xf32, #tpu.memory_space<vmem_shared>>
    tpu.wait_indirect_dma semaphore(%arg14 : memref<!tpu.dma_semaphore, #tpu.memory_space<semaphore_mem>>) src(%arg10 : memref<6656xf32, #tpu.memory_space<vmem>>) dst(%dma_wait3A_968 : memref<1000000xf32, #tpu.memory_space<vmem_shared>>)
    %barrier3A_969 = arith.constant 0 : index
    tpu.barrier barrier_id(%barrier3A_969)
    %eq3A_970 = arith.constant 0 : i32
    %eq3A_971 = arith.cmpi eq, %arg1, %eq3A_970 : i32
    %eq3A_972 = arith.constant 0 : i32
    %eq3A_973 = arith.cmpi eq, %arg0, %eq3A_972 : i32
    %and3A = arith.andi %eq3A_971, %eq3A_973 : i1
    %convert_element_type3A_974 = arith.extui %and3A : i1 to i32
    %cond3A_975 = arith.constant 0 : i32
    %cond3A_976 = arith.cmpi ne, %convert_element_type3A_974, %cond3A_975 : i32
    scf.if %cond3A_976 {
      "tpu.region"() ({
        %run_scoped3A = tpu.sem_alloc : memref<!tpu.dma_semaphore, #tpu.memory_space<semaphore_mem>>
        tpu.enqueue_dma source(%arg11 : memref<1000000xf32, #tpu.memory_space<vmem_shared>>) target(%arg6 : memref<1000000xf32, #tpu.memory_space<hbm>>) target_semaphore(%run_scoped3A : memref<!tpu.dma_semaphore, #tpu.memory_space<semaphore_mem>>)
        tpu.wait_dma2 semaphore(%run_scoped3A : memref<!tpu.dma_semaphore, #tpu.memory_space<semaphore_mem>>) src(%arg11 : memref<1000000xf32, #tpu.memory_space<vmem_shared>>) dst(%arg6 : memref<1000000xf32, #tpu.memory_space<hbm>>)
        tpu.yield
      }) : () -> ()
    } else {
    }
    %eq3A_977 = arith.constant 0 : i32
    %eq3A_978 = arith.cmpi eq, %arg1, %eq3A_977 : i32
    %eq3A_979 = arith.constant 1 : i32
    %eq3A_980 = arith.cmpi eq, %arg0, %eq3A_979 : i32
    %and3A_981 = arith.andi %eq3A_978, %eq3A_980 : i1
    %convert_element_type3A_982 = arith.extui %and3A_981 : i1 to i32
    %cond3A_983 = arith.constant 0 : i32
    %cond3A_984 = arith.cmpi ne, %convert_element_type3A_982, %cond3A_983 : i32
    scf.if %cond3A_984 {
      "tpu.region"() ({
        %run_scoped3A = tpu.sem_alloc : memref<!tpu.dma_semaphore, #tpu.memory_space<semaphore_mem>>
        tpu.enqueue_dma source(%arg11 : memref<1000000xf32, #tpu.memory_space<vmem_shared>>) target(%arg7 : memref<1000000xf32, #tpu.memory_space<hbm>>) target_semaphore(%run_scoped3A : memref<!tpu.dma_semaphore, #tpu.memory_space<semaphore_mem>>)
        tpu.wait_dma2 semaphore(%run_scoped3A : memref<!tpu.dma_semaphore, #tpu.memory_space<semaphore_mem>>) src(%arg11 : memref<1000000xf32, #tpu.memory_space<vmem_shared>>) dst(%arg7 : memref<1000000xf32, #tpu.memory_space<hbm>>)
        tpu.yield
      }) : () -> ()
    } else {
    }
    return
  }
}

</mosaic_0001>

<sc_bundles>
// kernel: _sc_call.3.cloned.1.call-start
scs
__scs_entry_jumppad:
0x0: {  	(pc) =	sbr.rel $0x88, $3  }
0x1: {  	(tag) =	ssettag $0x0;
	lr =	simm.s32 $0x1  }
0x2: {  	[smem:$0x3F9E] =	sst lr;
	_ =	strace $0xD0000000  }
0x3: {  	_ = 	snop  }
0x4: {  	_ = 	snop  }
0x5: {  	_ = 	snop  }
0x6: {  	_ = 	snop  }
0x7: {  	_ = 	snop  }
__scs_overlays_trampoline_lowered:
0x8: {  	[smem:$0x3FAD] =	sst s0  }
0x9: {  	[smem:$0x3FAE] =	sst s1  }
0xa: {  	[smem:$0x3FAF] =	sst s2  }
0xb: {  	[smem:$0x3FB0] =	sst s3  }
0xc: {  	[smem:$0x3FB1] =	sst s4  }
0xd: {  	[smem:$0x3FB2] =	sst s5  }
0xe: {  	[smem:$0x3FB3] =	sst s6  }
0xf: {  	[smem:$0x3FB4] =	sst s7  }
0x10: {  	[smem:$0x3FB5] =	sst s8  }
0x11: {  	[smem:$0x3FB6] =	sst s9;
	s0 =	simm.s32 @!p0 $0x0  }
0x12: {  	s1 =	sld [smem:$0x3F9C];
	s0 =	simm.s32 @p0 $0x1  }
0x13: {  	[smem:$0x3FB7] =	sst s0;
	s0 =	simm.s32 @!p1 $0x0  }
0x14: {  	s2 =	sld [smem:$0x3F9B];
	s0 =	simm.s32 @p1 $0x1  }
0x15: {  	[smem:$0x3FB8] =	sst s0;
	s0 =	simm.s32 @!p2 $0x0  }
0x16: {  	s3 =	sld [smem:$0x3FDB];
	s0 =	simm.s32 @p2 $0x1  }
0x17: {  	s4 =	simm.s32 $0x1BF5;
	[smem:$0x3FBA] =	sst s0  }
0x18: {  	s0 =	sld [smem:$0x3F9D];
	_ =	swait.ge [sflag:s4], $0x0  }
0x19: {  	s7 =	sld [smem:$0x3F9E]  }
0x1a: {  	s8 =	sadd.s32 $0xFFFFE003, lr  }
0x1b: {  	s9 =	sadd.s32 $0xFFFFFEF7, lr;
	s5 =	simm.s32 $0xFFFFFFFF;
	p2 =	slt.u32 s8, $0xFFFFF086  }
0x1c: {  	p1 =	slt.u32 s9, $0xF7A;
	s5 =	simm.s32 @!p2 $0x0  }
0x1d: {  	s5 =	simm.s32 @p1 $0x1;
	p0 =	seq.s32 s7, s2  }
0x1e: {  	s7 =	smul.u32 @!p0 $0xF7A, s2;
	p2 =	seq.s32 @!p0 s5, $0x0  }
0x1f: {  	s9 =	smul.u32 $0xF7A, s1;
	s8 =	simm.s32 @!p0 $0x1BF5;
	p2 =	por !p2, p0  }
0x20: {  	[sflag:s8] =	ssyncset.s32 @!p0 $0xFFFFF086;
	s6 =	sadd.s32 @!p0 s3, s7;
	s7 =	simm.s32 @!p0 $0x108  }
0x21: {  	s3 =	sadd.s32 s3, s9;
	s6 =	sadd.s32 @!p0 $0x88, s6;
	s7 =	simm.s32 @p2 $0x1082  }
0x22: {  	[simem:s7], [sflag:s8] =	dma.local @!p0 [hbm:s6], $0xF7A  }
0x23: {  	s9 =	sor.u32 $0xD0000000, s2;
	s6 =	simm.s32 $0x108;
	_ =	swait.ge @!p0 [sflag:s8], $0x0  }
0x24: {  	s3 =	sadd.s32 $0x88, s3;
	s6 =	simm.s32 @!p1 $0x1082;
	[sflag:s4] =	ssyncset.s32 $0xFFFFF086  }
0x25: {  	[simem:s6], [sflag:s4] =	dma.local [hbm:s3], $0xF7A  }
0x26: {  	[smem:$0x3F9E] =	sst s1;
	(tag) =	ssettag s2;
	_ =	strace s9  }
0x27: {  	s1 =	sld [smem:$0x3FAE]  }
0x28: {  	s2 =	sld [smem:$0x3FAF]  }
0x29: {  	s4 =	sld [smem:$0x3FB1]  }
0x2a: {  	p0 =	seq.s32 s5, $0x0;
	s5 =	sld [smem:$0x3FB2]  }
0x2b: {  	s6 =	sld [smem:$0x3FB3]  }
0x2c: {  	s7 =	sld [smem:$0x3FB4]  }
0x2d: {  	s3 =	simm.s32 $0x108;
	s8 =	sld [smem:$0x3FB5]  }
0x2e: {  	s3 =	simm.s32 @!p0 $0x1082;
	s9 =	sld [smem:$0x3FB6]  }
0x2f: {  	lr =	sadd.s32 s0, s3;
	s0 =	sld [smem:$0x3FAD]  }
0x30: {  	s3 =	sld [smem:$0x3FB0]  }
0x31: {  	[smem:$0x3FB9] =	sst s10  }
0x32: {  	s10 =	sld [smem:$0x3FB7];
	_ =	sdelay $0x3  }
0x33: {  	p0 =	seq.s32 s10, $0x1;
	s10 =	sld [smem:$0x3FB9];
	_ =	sdelay $0x3  }
0x34: {  	[smem:$0x3FB9] =	sst s10  }
0x35: {  	s10 =	sld [smem:$0x3FB8];
	_ =	sdelay $0x3  }
0x36: {  	p1 =	seq.s32 s10, $0x1;
	s10 =	sld [smem:$0x3FB9];
	_ =	sdelay $0x3  }
0x37: {  	[smem:$0x3FB9] =	sst s10  }
0x38: {  	s10 =	sld [smem:$0x3FBA]  }
0x39: {  	_ = 	snop;
	(pc) =	sbr.ind lr, $3  }
0x3a: {  	_ = 	snop  }
0x3b: {  	_ = 	snop  }
0x3c: {  	p2 =	seq.s32 s10, $0x1;
	s10 =	sld [smem:$0x3FB9]  }
0x3d: {  	_ =	shalt  }
0x3e: {  	_ =	shalt  }
0x3f: {  	_ =	shalt  }
0x40: {  	_ =	shalt  }
0x41: {  	_ =	shalt  }
0x42: {  	_ =	shalt  }
0x43: {  	_ =	shalt  }
0x44: {  	_ =	shalt  }
0x45: {  	_ =	shalt  }
0x46: {  	_ =	shalt  }
0x47: {  	_ =	shalt  }
0x48: {  	_ =	shalt  }
0x49: {  	_ =	shalt  }
0x4a: {  	_ =	shalt  }
0x4b: {  	_ =	shalt  }
0x4c: {  	_ =	shalt  }
0x4d: {  	_ =	shalt  }
0x4e: {  	_ =	shalt  }
0x4f: {  	_ =	shalt  }
0x50: {  	_ =	shalt  }
0x51: {  	_ =	shalt  }
0x52: {  	_ =	shalt  }
0x53: {  	_ =	shalt  }
0x54: {  	_ =	shalt  }
0x55: {  	_ =	shalt  }
0x56: {  	_ =	shalt  }
0x57: {  	_ =	shalt  }
0x58: {  	_ =	shalt  }
0x59: {  	_ =	shalt  }
0x5a: {  	_ =	shalt  }
0x5b: {  	_ =	shalt  }
0x5c: {  	_ =	shalt  }
0x5d: {  	_ =	shalt  }
0x5e: {  	_ =	shalt  }
0x5f: {  	_ =	shalt  }
0x60: {  	_ =	shalt  }
0x61: {  	_ =	shalt  }
0x62: {  	_ =	shalt  }
0x63: {  	_ =	shalt  }
0x64: {  	_ =	shalt  }
0x65: {  	_ =	shalt  }
0x66: {  	_ =	shalt  }
0x67: {  	_ =	shalt  }
0x68: {  	_ =	shalt  }
0x69: {  	_ =	shalt  }
0x6a: {  	_ =	shalt  }
0x6b: {  	_ =	shalt  }
0x6c: {  	_ =	shalt  }
0x6d: {  	_ =	shalt  }
0x6e: {  	_ =	shalt  }
0x6f: {  	_ =	shalt  }
0x70: {  	_ =	shalt  }
0x71: {  	_ =	shalt  }
0x72: {  	_ =	shalt  }
0x73: {  	_ =	shalt  }
0x74: {  	_ =	shalt  }
0x75: {  	_ =	shalt  }
0x76: {  	_ =	shalt  }
0x77: {  	_ =	shalt  }
0x78: {  	_ =	shalt  }
0x79: {  	_ =	shalt  }
0x7a: {  	_ =	shalt  }
0x7b: {  	_ =	shalt  }
0x7c: {  	_ =	shalt  }
0x7d: {  	_ =	shalt  }
0x7e: {  	_ =	shalt  }
0x7f: {  	_ =	shalt  }
0x80: {  	_ =	shalt  }
0x81: {  	_ =	shalt  }
0x82: {  	_ =	shalt  }
0x83: {  	_ =	shalt  }
0x84: {  	_ =	shalt  }
0x85: {  	_ =	shalt  }
0x86: {  	_ =	shalt  }
0x87: {  	_ =	shalt  }
.Lfunc_end0:
.L_simem_size_0:
called_computation_lowered:
.L_overlay_start_0:
0x88: {  	s2 =	sld [smem:$0x3FD9]  }
0x89: {  	s3 =	sld [smem:$0x3FFE];
	_ =	sdelay $0x1  }
0x8a: {  	s1 =	srdreg.scid  }
0x8b: {  	s0 =	sand.u32 $0x1, s1  }
0x8c: {  	s15 =	sshll.u32 s0, $0xA;
	s2 =	sadd.s32 s3, s2  }
0x8d: {  	s2 =	sadd.s32 s2, s15  }
0x8e: {  	[smem:$0x3FC5] =	sst s2  }
0x8f: {  	_ = 	snop  }
0x90: {  	s2 =	sld [smem:$0x3FD0]  }
0x91: {  	s16 =	sld [smem:$0x3FC9]  }
0x92: {  	s4 =	sld [smem:$0x3FC8]  }
0x93: {  	s6 =	simm.s32 $0xA;
	s7 =	simm.s32 $0x10;
	s5 =	sld [smem:$0x3FC7]  }
0x94: {  	[smem:s7], [sflag:s6] =	dma.local [hbm:s2], $0x1  }
0x95: {  	_ =	swait.eq [sflag:s6], $0x1  }
0x96: {  	s17 =	sld [smem:$0x10];
	[sflag:s6] =	ssyncset.done $0x0  }
0x97: {  	s18 =	sld [smem:$0x11];
	[sflag:s6] =	ssyncadd.s32 $0xFFFFFFFF  }
0x98: {  	s19 =	sld [smem:$0x12];
	(tm) =	ssettm $0x1  }
0x99: {  	s8 =	sld [smem:$0x3FFB];
	_ =	sdelay $0x3  }
0x9a: {  	_ =	strace s8  }
0x9b: {  	s8 =	sld [smem:$0x3FFC];
	_ =	sdelay $0x3  }
0x9c: {  	_ =	strace s8  }
0x9d: {  	s8 =	sld [smem:$0x3FFD];
	_ =	sdelay $0x3  }
0x9e: {  	_ =	strace s8  }
0x9f: {  	_ =	strace $0x8FFFFFFF  }
0xa0: {  	s20 =	sld [smem:$0x3FDB];
	_ =	sdelay $0x1  }
0xa1: {  	s9 =	simm.s32 $_scs_section_size  }
0xa2: {  	s10 =	simm.s32 $_size__tile_overlayer_lowered;
	s11 =	simm.s32 $_tile_overlayer_lowered  }
0xa3: {  	s23 =	simm.s32 $0x1BFF;
	s22 =	sshll.u32 s11, $0x1;
	s8 =	sadd.s32 s9, s20  }
0xa4: {  	s12 =	simm.s32 $0x0;
	s21 =	sshll.u32 s10, $0x1;
	s10 =	sadd.s32 s22, s8  }
0xa5: {  	[timem:s12], [sflag:s23] =	dma.local [hbm:s10], s21  }
0xa6: {  	_ =	swait.ge [sflag:s23], s21  }
0xa7: {  	s9 =	ssub.s32 $0x0, s21;
	[sflag:s23] =	ssyncset.done $0x0  }
0xa8: {  	[sflag:s23] =	ssyncadd.s32 s9;
	_ =	sdelay $0x1  }
0xa9: {  	s24 =	simm.s32 $0x1B8B  }
0xaa: {  	_ =	swait.ge [sflag:s24], $0x1  }
0xab: {  	[sflag:s24] =	ssyncset.done $0x0  }
0xac: {  	s25 =	simm.s32 $0x1B8E;
	[sflag:s24] =	ssyncadd.s32 $0xFFFFFFFF  }
0xad: {  	s26 =	simm.s32 $execute0_lowered;
	[smem:$0x3FD2] =	sst s25  }
0xae: {  	s9 =	sshll.u32 s26, $0x1;
	_ =	strace $0x80000046;
	[dreg:$0x1] =	wrdreg $0xFFFFFFFF  }
0xaf: {  	s28 =	simm.s32 $_size_execute0_lowered;
	s8 =	sadd.s32 s8, s9;
	[dreg:$0x0] =	wrdreg $0x0  }
0xb0: {  	s9 =	sshll.u32 s28, $0x1;
	[dreg:$0x2] =	wrdreg s8  }
0xb1: {  	[dreg:$0x3] =	wrdreg s9  }
0xb2: {  	[dreg:$0x4] =	wrdreg $0xC0  }
0xb3: {  	_ =	task [dreg:s12], $0x5FFFF  }
0xb4: {  	[dreg:$0x1] =	wrdreg $0xFFFFFFFF  }
0xb5: {  	[dreg:$0x0] =	wrdreg $0x60  }
0xb6: {  	[dreg:$0x2] =	wrdreg s16  }
0xb7: {  	[dreg:$0x3] =	wrdreg s4  }
0xb8: {  	[dreg:$0x4] =	wrdreg s5  }
0xb9: {  	[dreg:$0x5] =	wrdreg s17  }
0xba: {  	[dreg:$0x6] =	wrdreg s18  }
0xbb: {  	[dreg:$0x7] =	wrdreg s19  }
0xbc: {  	[dreg:$0x8] =	wrdreg $0x82000  }
0xbd: {  	[dreg:$0x9] =	wrdreg $0x9  }
0xbe: {  	_ =	task.clear_ibuf [dreg:s12], $0xAFFFF;
	_ =	strace $0x90000046  }
0xbf: {  	s29 =	simm.s32 $0x9;
	_ =	strace $0x80000048  }
0xc0: {  	_ =	swait.ge [sflag:s29], $0x1  }
0xc1: {  	[sflag:s29] =	ssyncadd.s32 $0xFFFFFFFF  }
0xc2: {  	_ =	strace $0x90000048  }
0xc3: {  	_ =	sfence  }
0xc4: {  	s30 =	sld [smem:$0x0];
	_ =	sdelay $0x2  }
0xc5: {  	s31 =	sshll.u32 s1, $0xD;
	s1 =	sshrl.u32 s1, $0x2  }
0xc6: {  	s3 =	sand.u32 $0x4000, s31;
	s1 =	sadd.s32 s1, s30  }
0xc7: {  	s0 =	sor.u32 s3, s0;
	s1 =	sshll.u32 s1, $0x11  }
0xc8: {  	s0 =	sor.u32 s1, s0  }
0xc9: {  	s0 =	sadd.s32 $0x8F2B, s0  }
0xca: {  	[sflag:s0] =	ssyncadd.remote.s32 $0x1  }
0xcb: {  	_ =	sfence.sel $0xFFFF  }
0xcc: {  	[dreg:$0x0] =	wrdreg $0xFFFFFFFF;
	(pc) =	sbr.abs _section_cstart, $3  }
0xcd: {  	[dreg:$0x1] =	wrdreg $0xFFFFFFFF  }
0xce: {  	_ =	task.clear_ibuf [dreg:s12], $0x2FFFF;
	_ =	strace $0x9FFFFFFF  }
0xcf: {  	(tm) =	ssettm $0x7FFFFFFF  }
tec
execute0_lowered:
.L_overlay_start_1:
0x0: {  	(tag) =	ssettag $0x1  }
0x1: {  	s4 =	rddreg [dreg:$0x0]  }
0x2: {  	s1 =	rddreg [dreg:$0x3];
	s2 =	srdreg.scid  }
0x3: {  	s0 =	simm.s32 $0x0;
	s6 =	stileid.u32;
	s2 =	sand.u32 $0x1, s2  }
0x4: {  	s6 =	sshll.u32 s6, $0x9;
	s3 =	ssub.s32 $0x2, s2;
	s5 =	sshll.u32 s2, $0xD  }
0x5: {  	[smem:$0x7FF] =	sst s0;
	s7 =	sshrl.u32 s3, $0x1;
	s5 =	sor.u32 s6, s5  }
0x6: {  	s3 =	ssub.s32 s3, s7;
	s6 =	sadd.s32 s4, s5;
	s7 =	sor.u32 $0x20, s5  }
0x7: {  	s8 =	sor.u32 $0x30, s5;
	[dreg:$0x8] =	wrdreg s6;
	s9 =	sadd.s32 s4, s7  }
0x8: {  	s11 =	sor.u32 $0x60, s5;
	s21 =	sadd.s32 s4, s8;
	[dreg:$0xa] =	wrdreg s9  }
0x9: {  	s14 =	sor.u32 $0x4010, s5;
	s22 =	sadd.s32 s4, s11;
	[dreg:$0xb] =	wrdreg s21  }
0xa: {  	s17 =	sor.u32 $0x4040, s5;
	s23 =	sadd.s32 s4, s14;
	[dreg:$0xe] =	wrdreg s22  }
0xb: {  	s24 =	sadd.s32 s4, s17;
	[dreg:$0x11] =	wrdreg s23  }
0xc: {  	s7 =	sadd.s32 s1, s7;
	[dreg:$0x14] =	wrdreg s24  }
0xd: {  	s8 =	sadd.s32 s1, s8;
	[smem:$0x7F6] =	sst s7  }
0xe: {  	s11 =	sadd.s32 s1, s11;
	[smem:$0x7F7] =	sst s8  }
0xf: {  	s6 =	sor.u32 $0x10, s5;
	s14 =	sadd.s32 s1, s14;
	[smem:$0x7FA] =	sst s11  }
0x10: {  	s20 =	sadd.s32 s4, s6;
	s9 =	sor.u32 $0x40, s5;
	[smem:$0x7FD] =	sst s14  }
0x11: {  	[dreg:$0x9] =	wrdreg s20;
	s10 =	sadd.s32 s4, s9  }
0x12: {  	s6 =	sadd.s32 s1, s6;
	[dreg:$0xc] =	wrdreg s10;
	s10 =	sor.u32 $0x50, s5  }
0x13: {  	s23 =	sor.u32 $0x8020, s5;
	[smem:$0x7F5] =	sst s6;
	s12 =	sadd.s32 s4, s10  }
0x14: {  	s26 =	sadd.s32 s4, s23;
	[dreg:$0xd] =	wrdreg s12;
	s12 =	sor.u32 $0x70, s5  }
0x15: {  	[dreg:$0x1a] =	wrdreg s26;
	s13 =	sadd.s32 s4, s12  }
0x16: {  	s9 =	sadd.s32 s1, s9;
	[dreg:$0xf] =	wrdreg s13;
	s13 =	sor.u32 $0x4000, s5  }
0x17: {  	s20 =	sor.u32 $0x4070, s5;
	[smem:$0x7F8] =	sst s9;
	s15 =	sadd.s32 s4, s13  }
0x18: {  	s25 =	sadd.s32 s4, s20;
	[dreg:$0x10] =	wrdreg s15;
	s15 =	sor.u32 $0x4020, s5  }
0x19: {  	p2 =	seq.s32 s2, $0x1;
	[dreg:$0x17] =	wrdreg s25;
	s16 =	sadd.s32 s4, s15  }
0x1a: {  	s10 =	sadd.s32 s1, s10;
	[dreg:$0x12] =	wrdreg s16;
	s16 =	sor.u32 $0x4030, s5  }
0x1b: {  	s30 =	sor.u32 $0xC000, s5;
	[smem:$0x7F9] =	sst s10;
	s18 =	sadd.s32 s4, s16  }
0x1c: {  	s12 =	sadd.s32 s1, s12;
	[dreg:$0x13] =	wrdreg s18;
	s18 =	sor.u32 $0x4050, s5  }
0x1d: {  	s26 =	sor.u32 $0x8050, s5;
	[smem:$0x7FB] =	sst s12;
	s19 =	sadd.s32 s4, s18  }
0x1e: {  	s13 =	sadd.s32 s1, s13;
	[dreg:$0x15] =	wrdreg s19;
	s19 =	sor.u32 $0x4060, s5  }
0x1f: {  	s10 =	sadd.s32 s1, s17;
	[smem:$0x7FC] =	sst s13;
	s21 =	sadd.s32 s4, s19  }
0x20: {  	s13 =	sadd.s32 s1, s20;
	[dreg:$0x16] =	wrdreg s21;
	s21 =	sor.u32 $0x8000, s5  }
0x21: {  	s8 =	sadd.s32 s1, s15;
	s9 =	sadd.s32 s1, s16;
	s22 =	sadd.s32 s4, s21  }
0x22: {  	s16 =	sadd.s32 s1, s23;
	[dreg:$0x18] =	wrdreg s22;
	s22 =	sor.u32 $0x8010, s5  }
0x23: {  	s11 =	sadd.s32 s1, s18;
	s12 =	sadd.s32 s1, s19;
	s24 =	sadd.s32 s4, s22  }
0x24: {  	s19 =	sadd.s32 s1, s26;
	[dreg:$0x19] =	wrdreg s24;
	s24 =	sor.u32 $0x8030, s5  }
0x25: {  	s14 =	sadd.s32 s1, s21;
	s15 =	sadd.s32 s1, s22;
	s25 =	sadd.s32 s4, s24  }
0x26: {  	s22 =	sadd.s32 s1, s30;
	[dreg:$0x1b] =	wrdreg s25;
	s25 =	sor.u32 $0x8040, s5  }
0x27: {  	s17 =	sadd.s32 s1, s24;
	s24 =	rddreg [dreg:$0x6];
	s28 =	sadd.s32 s4, s25  }
0x28: {  	s18 =	sadd.s32 s1, s25;
	s25 =	stileid.u32;
	[dreg:$0x1c] =	wrdreg s28  }
0x29: {  	s28 =	sadd.s32 s4, s26;
	p0 =	seq.s32 s25, $0x0;
	s26 =	stileid.u32  }
0x2a: {  	[dreg:$0x1d] =	wrdreg s28;
	s28 =	sor.u32 $0x8060, s5;
	p0 =	por !p0, !p2  }
0x2b: {  	s29 =	sadd.s32 s4, s28;
	s20 =	sadd.s32 s1, s28;
	p2 =	por !p0, !p0  }
0x2c: {  	p0 =	sne.s32 s26, $0x0;
	[dreg:$0x1e] =	wrdreg s29;
	s29 =	sor.u32 $0x8070, s5  }
0x2d: {  	s26 =	simm.s32 $0x80;
	s28 =	simm.s32 $0x400;
	s31 =	sadd.s32 s4, s29  }
0x2e: {  	s21 =	sadd.s32 s1, s29;
	[dreg:$0x1f] =	wrdreg s31;
	s31 =	sadd.s32 s4, s30  }
0x2f: {  	s29 =	simm.s32 $0x1A00;
	[smem:$0x7F2] =	sst s31;
	s31 =	sor.u32 $0xC010, s5  }
0x30: {  	s30 =	simm.s32 $0x1;
	s5 =	sadd.s32 s1, s5;
	s4 =	sadd.s32 s4, s31  }
0x31: {  	[smem:$0x7F4] =	sst s5;
	s23 =	sadd.s32 s1, s31;
	s1 =	sor.u32 s2, s25  }
0x32: {  	s25 =	smax.u32 s3, $0x1;
	s31 =	simm.s32 $0x3400;
	s2 =	simm.s32 $0x2  }
0x33: {  	s3 =	simm.s32 $0x3;
	[smem:$0x7F3] =	sst s4;
	p1 =	sne.s32 s1, $0x0  }
0x34: {  	v0 =	vimm.f32 $1.000000000e+00;
	s1 =	simm.s32 $0x6800;
	s4 =	simm.s32 $0x0;
	_ =	strace $0x80000047  }
.LBB2_1:
0x35: {  	s5 =	rddreg [dreg:$0x8]  }
0x36: {  	[tilespmem:s0], [sflag:$0x1] =	stream.strided.gather [hbm4b:s5+s26], $0x200, s28, s26, $0x38;
	[tilespmem:$0x17628] =	vst v63  }
0x37: {  	s7 =	rddreg [dreg:$0x9];
	s6 =	simm.s32 $0x200  }
0x38: {  	[tilespmem:s6], [sflag:$0x1] =	stream.strided.gather [hbm4b:s7+s26], $0x200, s28, s26, $0x38;
	[tilespmem:$0x17628] =	vst v63  }
0x39: {  	s7 =	rddreg [dreg:$0xa]  }
0x3a: {  	[tilespmem:s28], [sflag:$0x1] =	stream.strided.gather [hbm4b:s7+s26], $0x200, s28, s26, $0x38;
	[tilespmem:$0x17628] =	vst v63  }
0x3b: {  	s6 =	rddreg [dreg:$0xb];
	s7 =	simm.s32 $0x600  }
0x3c: {  	[tilespmem:s7], [sflag:$0x1] =	stream.strided.gather [hbm4b:s6+s26], $0x200, s28, s26, $0x38;
	[tilespmem:$0x17628] =	vst v63  }
0x3d: {  	s6 =	rddreg [dreg:$0xc];
	s7 =	simm.s32 $0x800  }
0x3e: {  	[tilespmem:s7], [sflag:$0x1] =	stream.strided.gather [hbm4b:s6+s26], $0x200, s28, s26, $0x38;
	[tilespmem:$0x17628] =	vst v63  }
0x3f: {  	s6 =	rddreg [dreg:$0xd];
	s7 =	simm.s32 $0xA00  }
0x40: {  	[tilespmem:s7], [sflag:$0x1] =	stream.strided.gather [hbm4b:s6+s26], $0x200, s28, s26, $0x38;
	[tilespmem:$0x17628] =	vst v63  }
0x41: {  	s6 =	rddreg [dreg:$0xe];
	s7 =	simm.s32 $0xC00  }
0x42: {  	[tilespmem:s7], [sflag:$0x1] =	stream.strided.gather [hbm4b:s6+s26], $0x200, s28, s26, $0x38;
	[tilespmem:$0x17628] =	vst v63  }
0x43: {  	s6 =	rddreg [dreg:$0xf];
	s7 =	simm.s32 $0xE00  }
0x44: {  	[tilespmem:s7], [sflag:$0x1] =	stream.strided.gather [hbm4b:s6+s26], $0x200, s28, s26, $0x38;
	[tilespmem:$0x17628] =	vst v63  }
0x45: {  	s6 =	rddreg [dreg:$0x10];
	s7 =	simm.s32 $0x1000  }
0x46: {  	[tilespmem:s7], [sflag:$0x1] =	stream.strided.gather [hbm4b:s6+s26], $0x200, s28, s26, $0x38;
	[tilespmem:$0x17628] =	vst v63  }
0x47: {  	s6 =	rddreg [dreg:$0x11];
	s7 =	simm.s32 $0x1200  }
0x48: {  	[tilespmem:s7], [sflag:$0x1] =	stream.strided.gather [hbm4b:s6+s26], $0x200, s28, s26, $0x38;
	[tilespmem:$0x17628] =	vst v63  }
0x49: {  	s6 =	rddreg [dreg:$0x12];
	s7 =	simm.s32 $0x1400  }
0x4a: {  	[tilespmem:s7], [sflag:$0x1] =	stream.strided.gather [hbm4b:s6+s26], $0x200, s28, s26, $0x38;
	[tilespmem:$0x17628] =	vst v63  }
0x4b: {  	s6 =	rddreg [dreg:$0x13];
	s7 =	simm.s32 $0x1600  }
0x4c: {  	[tilespmem:s7], [sflag:$0x1] =	stream.strided.gather [hbm4b:s6+s26], $0x200, s28, s26, $0x38;
	[tilespmem:$0x17628] =	vst v63  }
0x4d: {  	s6 =	rddreg [dreg:$0x14];
	s7 =	simm.s32 $0x1800  }
0x4e: {  	[tilespmem:s7], [sflag:$0x1] =	stream.strided.gather [hbm4b:s6+s26], $0x200, s28, s26, $0x38;
	[tilespmem:$0x17628] =	vst v63  }
0x4f: {  	s7 =	rddreg [dreg:$0x15]  }
0x50: {  	[tilespmem:s29], [sflag:$0x1] =	stream.strided.gather [hbm4b:s7+s26], $0x200, s28, s26, $0x38;
	[tilespmem:$0x17628] =	vst v63  }
0x51: {  	s6 =	rddreg [dreg:$0x16];
	s7 =	simm.s32 $0x1C00  }
0x52: {  	[tilespmem:s7], [sflag:$0x1] =	stream.strided.gather [hbm4b:s6+s26], $0x200, s28, s26, $0x38;
	[tilespmem:$0x17628] =	vst v63  }
0x53: {  	s6 =	rddreg [dreg:$0x17];
	s7 =	simm.s32 $0x1E00  }
0x54: {  	[tilespmem:s7], [sflag:$0x1] =	stream.strided.gather [hbm4b:s6+s26], $0x200, s28, s26, $0x38;
	[tilespmem:$0x17628] =	vst v63  }
0x55: {  	s6 =	rddreg [dreg:$0x18];
	s7 =	simm.s32 $0x2000  }
0x56: {  	[tilespmem:s7], [sflag:$0x1] =	stream.strided.gather [hbm4b:s6+s26], $0x200, s28, s26, $0x38;
	[tilespmem:$0x17628] =	vst v63  }
0x57: {  	s6 =	rddreg [dreg:$0x19];
	s7 =	simm.s32 $0x2200  }
0x58: {  	[tilespmem:s7], [sflag:$0x1] =	stream.strided.gather [hbm4b:s6+s26], $0x200, s28, s26, $0x38;
	[tilespmem:$0x17628] =	vst v63  }
0x59: {  	s6 =	rddreg [dreg:$0x1a];
	s7 =	simm.s32 $0x2400  }
0x5a: {  	[tilespmem:s7], [sflag:$0x1] =	stream.strided.gather [hbm4b:s6+s26], $0x200, s28, s26, $0x38;
	[tilespmem:$0x17628] =	vst v63  }
0x5b: {  	s6 =	rddreg [dreg:$0x1b];
	s7 =	simm.s32 $0x2600  }
0x5c: {  	[tilespmem:s7], [sflag:$0x1] =	stream.strided.gather [hbm4b:s6+s26], $0x200, s28, s26, $0x38;
	[tilespmem:$0x17628] =	vst v63  }
0x5d: {  	s6 =	rddreg [dreg:$0x1c];
	s7 =	simm.s32 $0x2800  }
0x5e: {  	[tilespmem:s7], [sflag:$0x1] =	stream.strided.gather [hbm4b:s6+s26], $0x200, s28, s26, $0x38;
	[tilespmem:$0x17628] =	vst v63  }
0x5f: {  	s6 =	rddreg [dreg:$0x1d];
	s7 =	simm.s32 $0x2A00  }
0x60: {  	[tilespmem:s7], [sflag:$0x1] =	stream.strided.gather [hbm4b:s6+s26], $0x200, s28, s26, $0x38;
	[tilespmem:$0x17628] =	vst v63  }
0x61: {  	s6 =	rddreg [dreg:$0x1e];
	s7 =	simm.s32 $0x2C00  }
0x62: {  	[tilespmem:s7], [sflag:$0x1] =	stream.strided.gather [hbm4b:s6+s26], $0x200, s28, s26, $0x38;
	[tilespmem:$0x17628] =	vst v63  }
0x63: {  	s6 =	rddreg [dreg:$0x1f];
	s7 =	simm.s32 $0x2E00  }
0x64: {  	[tilespmem:s7], [sflag:$0x1] =	stream.strided.gather [hbm4b:s6+s26], $0x200, s28, s26, $0x38;
	[tilespmem:$0x17628] =	vst v63  }
0x65: {  	s6 =	sld [smem:$0x7F2];
	_ =	sdelay $0x1  }
0x66: {  	s7 =	simm.s32 $0x3000  }
0x67: {  	[tilespmem:s7], [sflag:$0x1] =	stream.strided.gather [hbm4b:s6+s26], $0x200, s28, s26, $0x38;
	[tilespmem:$0x17628] =	vst v63  }
0x68: {  	s6 =	sld [smem:$0x7F3];
	_ =	sdelay $0x1  }
0x69: {  	s7 =	simm.s32 $0x3200  }
0x6a: {  	[tilespmem:s7], [sflag:$0x1] =	stream.strided.gather [hbm4b:s6+s26], $0x200, s28, s26, $0x38;
	[tilespmem:$0x17628] =	vst v63  }
0x6b: {  	s5 =	sshrl.u32 @!p0 s24, $0x3;
	s6 =	simm.s32 @!p0 $0x1C04;
	s7 =	rddreg [dreg:$0x2]  }
0x6c: {  	[spmem:s5], [sflag:s6] =	dma.local @!p0 [hbm:s7], $0x1E850  }
0x6d: {  	s5 =	simm.s32 $0x40;
	s6 =	simm.s32 $0x0  }
.LBB2_2:
0x6e: {  	p3 =	sne.s32 s5, $0x67C0;
	[tilespmem:s6+$0x6800] =	vst v0;
	s6 =	smov.u32 s5;
	s5 =	sadd.s32 $0x40, s5  }
.Ltmp0:
0x6f: {  	(pc) =	sbr.rel @p3 .LBB2_2-.Ltmp0, $2  }
0x70: {  	_ =	sdelay $0x2  }
0x71: {  	s6 =	sshra.s32 s6, $0x2  }
0x72: {  	[tilespmem:s6+$0x6800] =	vst v0  }
0x73: {  	_ =	swait.ge [sflag:s30], $0x200  }
0x74: {  	[sflag:s30] =	ssyncset.done $0x0  }
0x75: {  	[sflag:s30] =	ssyncadd.s32 $0xFFFFFE00  }
0x76: {  	_ =	swait.ge [sflag:s30], $0x200  }
0x77: {  	[sflag:s30] =	ssyncset.done $0x0  }
0x78: {  	[sflag:s30] =	ssyncadd.s32 $0xFFFFFE00  }
0x79: {  	_ =	swait.ge [sflag:s30], $0x200  }
0x7a: {  	[sflag:s30] =	ssyncset.done $0x0  }
0x7b: {  	[sflag:s30] =	ssyncadd.s32 $0xFFFFFE00  }
0x7c: {  	_ =	swait.ge [sflag:s30], $0x200  }
0x7d: {  	[sflag:s30] =	ssyncset.done $0x0  }
0x7e: {  	[sflag:s30] =	ssyncadd.s32 $0xFFFFFE00  }
0x7f: {  	_ =	swait.ge [sflag:s30], $0x200  }
0x80: {  	[sflag:s30] =	ssyncset.done $0x0  }
0x81: {  	[sflag:s30] =	ssyncadd.s32 $0xFFFFFE00  }
0x82: {  	_ =	swait.ge [sflag:s30], $0x200  }
0x83: {  	[sflag:s30] =	ssyncset.done $0x0  }
0x84: {  	[sflag:s30] =	ssyncadd.s32 $0xFFFFFE00  }
0x85: {  	_ =	swait.ge [sflag:s30], $0x200  }
0x86: {  	[sflag:s30] =	ssyncset.done $0x0  }
0x87: {  	[sflag:s30] =	ssyncadd.s32 $0xFFFFFE00  }
0x88: {  	_ =	swait.ge [sflag:s30], $0x200  }
0x89: {  	[sflag:s30] =	ssyncset.done $0x0  }
0x8a: {  	[sflag:s30] =	ssyncadd.s32 $0xFFFFFE00  }
0x8b: {  	_ =	swait.ge [sflag:s30], $0x200  }
0x8c: {  	[sflag:s30] =	ssyncset.done $0x0  }
0x8d: {  	[sflag:s30] =	ssyncadd.s32 $0xFFFFFE00  }
0x8e: {  	_ =	swait.ge [sflag:s30], $0x200  }
0x8f: {  	[sflag:s30] =	ssyncset.done $0x0  }
0x90: {  	[sflag:s30] =	ssyncadd.s32 $0xFFFFFE00  }
0x91: {  	_ =	swait.ge [sflag:s30], $0x200  }
0x92: {  	[sflag:s30] =	ssyncset.done $0x0  }
0x93: {  	[sflag:s30] =	ssyncadd.s32 $0xFFFFFE00  }
0x94: {  	_ =	swait.ge [sflag:s30], $0x200  }
0x95: {  	[sflag:s30] =	ssyncset.done $0x0  }
0x96: {  	[sflag:s30] =	ssyncadd.s32 $0xFFFFFE00  }
0x97: {  	_ =	swait.ge [sflag:s30], $0x200  }
0x98: {  	[sflag:s30] =	ssyncset.done $0x0  }
0x99: {  	[sflag:s30] =	ssyncadd.s32 $0xFFFFFE00  }
0x9a: {  	_ =	swait.ge [sflag:s30], $0x200  }
0x9b: {  	[sflag:s30] =	ssyncset.done $0x0  }
0x9c: {  	[sflag:s30] =	ssyncadd.s32 $0xFFFFFE00  }
0x9d: {  	_ =	swait.ge [sflag:s30], $0x200  }
0x9e: {  	[sflag:s30] =	ssyncset.done $0x0  }
0x9f: {  	[sflag:s30] =	ssyncadd.s32 $0xFFFFFE00  }
0xa0: {  	_ =	swait.ge [sflag:s30], $0x200  }
0xa1: {  	[sflag:s30] =	ssyncset.done $0x0  }
0xa2: {  	[sflag:s30] =	ssyncadd.s32 $0xFFFFFE00  }
0xa3: {  	_ =	swait.ge [sflag:s30], $0x200  }
0xa4: {  	[sflag:s30] =	ssyncset.done $0x0  }
0xa5: {  	[sflag:s30] =	ssyncadd.s32 $0xFFFFFE00  }
0xa6: {  	_ =	swait.ge [sflag:s30], $0x200  }
0xa7: {  	[sflag:s30] =	ssyncset.done $0x0  }
0xa8: {  	[sflag:s30] =	ssyncadd.s32 $0xFFFFFE00  }
0xa9: {  	_ =	swait.ge [sflag:s30], $0x200  }
0xaa: {  	[sflag:s30] =	ssyncset.done $0x0  }
0xab: {  	[sflag:s30] =	ssyncadd.s32 $0xFFFFFE00  }
0xac: {  	_ =	swait.ge [sflag:s30], $0x200  }
0xad: {  	[sflag:s30] =	ssyncset.done $0x0  }
0xae: {  	[sflag:s30] =	ssyncadd.s32 $0xFFFFFE00  }
0xaf: {  	_ =	swait.ge [sflag:s30], $0x200  }
0xb0: {  	[sflag:s30] =	ssyncset.done $0x0  }
0xb1: {  	[sflag:s30] =	ssyncadd.s32 $0xFFFFFE00  }
0xb2: {  	_ =	swait.ge [sflag:s30], $0x200  }
0xb3: {  	[sflag:s30] =	ssyncset.done $0x0  }
0xb4: {  	[sflag:s30] =	ssyncadd.s32 $0xFFFFFE00  }
0xb5: {  	_ =	swait.ge [sflag:s30], $0x200  }
0xb6: {  	[sflag:s30] =	ssyncset.done $0x0  }
0xb7: {  	[sflag:s30] =	ssyncadd.s32 $0xFFFFFE00  }
0xb8: {  	_ =	swait.ge [sflag:s30], $0x200  }
0xb9: {  	[sflag:s30] =	ssyncset.done $0x0  }
0xba: {  	[sflag:s30] =	ssyncadd.s32 $0xFFFFFE00  }
0xbb: {  	_ =	swait.ge [sflag:s30], $0x200  }
0xbc: {  	[sflag:s30] =	ssyncset.done $0x0  }
0xbd: {  	[sflag:s30] =	ssyncadd.s32 $0xFFFFFE00  }
0xbe: {  	_ =	swait.ge [sflag:s30], $0x200  }
0xbf: {  	[sflag:s30] =	ssyncset.done $0x0  }
0xc0: {  	[sflag:s30] =	ssyncadd.s32 $0xFFFFFE00  }
0xc1: {  	s5 =	rddreg [dreg:$0x1]  }
0xc2: {  	[tilespmem:s31], [sflag:$0x2] =	stream.indirect.gather [hbm4b:s5+s31], $0x1, s0, s31, $0xb8;
	[tilespmem:$0x17628] =	vst v63  }
0xc3: {  	s5 =	simm.s32 @!p0 $0x4  }
0xc4: {  	_ =	swait.ge @!p0 [sflag:s5], $0x1E850  }
0xc5: {  	[sflag:s5] =	ssyncset.done @!p0 $0x0  }
0xc6: {  	[sflag:s5] =	ssyncadd.s32 @!p0 $0xFFFE17B0  }
0xc7: {  	[bflag:$0x0] =	sbarrier.arrive $0xFFFF  }
0xc8: {  	[spmem:s24] =	stream.indirect.scatter.add.f32 [tilespmem:s1], [sflag:$0x3], $0x1, s0, s29, $0xb8;
	[tilespmem:$0x17628] =	vst v63  }
0xc9: {  	_ = 	snop  }
0xca: {  	[spmem:s24] =	stream.indirect.scatter.add.f32 [tilespmem:s1], [sflag:$0x3], $0x1, s29, s29, $0xb8;
	[tilespmem:$0x17628] =	vst v63  }
0xcb: {  	_ =	swait.ge [sflag:s2], $0x3400  }
0xcc: {  	s7 =	sld [smem:$0x7F4]  }
0xcd: {  	[sflag:s2] =	ssyncset.done $0x0  }
0xce: {  	s6 =	sld [smem:$0x7F5];
	[sflag:s2] =	ssyncadd.s32 $0xFFFFCC00  }
0xcf: {  	[hbm4b:s7+s26] =	stream.strided.scatter [tilespmem:s31], [sflag:$0x1], $0x200, s28, s26, $0x38;
	[tilespmem:$0x17628] =	vst v63  }
0xd0: {  	s7 =	simm.s32 $0x3600  }
0xd1: {  	[hbm4b:s6+s26] =	stream.strided.scatter [tilespmem:s7], [sflag:$0x1], $0x200, s28, s26, $0x38;
	[tilespmem:$0x17628] =	vst v63  }
0xd2: {  	s6 =	sld [smem:$0x7F6];
	_ =	sdelay $0x1  }
0xd3: {  	s7 =	simm.s32 $0x3800  }
0xd4: {  	[hbm4b:s6+s26] =	stream.strided.scatter [tilespmem:s7], [sflag:$0x1], $0x200, s28, s26, $0x38;
	[tilespmem:$0x17628] =	vst v63  }
0xd5: {  	s6 =	sld [smem:$0x7F7];
	_ =	sdelay $0x1  }
0xd6: {  	s7 =	simm.s32 $0x3A00  }
0xd7: {  	[hbm4b:s6+s26] =	stream.strided.scatter [tilespmem:s7], [sflag:$0x1], $0x200, s28, s26, $0x38;
	[tilespmem:$0x17628] =	vst v63  }
0xd8: {  	s6 =	sld [smem:$0x7F8];
	_ =	sdelay $0x1  }
0xd9: {  	s7 =	simm.s32 $0x3C00  }
0xda: {  	[hbm4b:s6+s26] =	stream.strided.scatter [tilespmem:s7], [sflag:$0x1], $0x200, s28, s26, $0x38;
	[tilespmem:$0x17628] =	vst v63  }
0xdb: {  	s6 =	sld [smem:$0x7F9];
	_ =	sdelay $0x1  }
0xdc: {  	s7 =	simm.s32 $0x3E00  }
0xdd: {  	[hbm4b:s6+s26] =	stream.strided.scatter [tilespmem:s7], [sflag:$0x1], $0x200, s28, s26, $0x38;
	[tilespmem:$0x17628] =	vst v63  }
0xde: {  	s6 =	sld [smem:$0x7FA];
	_ =	sdelay $0x1  }
0xdf: {  	s7 =	simm.s32 $0x4000  }
0xe0: {  	[hbm4b:s6+s26] =	stream.strided.scatter [tilespmem:s7], [sflag:$0x1], $0x200, s28, s26, $0x38;
	[tilespmem:$0x17628] =	vst v63  }
0xe1: {  	s6 =	sld [smem:$0x7FB];
	_ =	sdelay $0x1  }
0xe2: {  	s7 =	simm.s32 $0x4200  }
0xe3: {  	[hbm4b:s6+s26] =	stream.strided.scatter [tilespmem:s7], [sflag:$0x1], $0x200, s28, s26, $0x38;
	[tilespmem:$0x17628] =	vst v63  }
0xe4: {  	s6 =	sld [smem:$0x7FC];
	_ =	sdelay $0x1  }
0xe5: {  	s7 =	simm.s32 $0x4400  }
0xe6: {  	[hbm4b:s6+s26] =	stream.strided.scatter [tilespmem:s7], [sflag:$0x1], $0x200, s28, s26, $0x38;
	[tilespmem:$0x17628] =	vst v63  }
0xe7: {  	s6 =	sld [smem:$0x7FD];
	_ =	sdelay $0x1  }
0xe8: {  	s7 =	simm.s32 $0x4600  }
0xe9: {  	[hbm4b:s6+s26] =	stream.strided.scatter [tilespmem:s7], [sflag:$0x1], $0x200, s28, s26, $0x38;
	[tilespmem:$0x17628] =	vst v63  }
0xea: {  	s6 =	simm.s32 $0x4800  }
0xeb: {  	[hbm4b:s8+s26] =	stream.strided.scatter [tilespmem:s6], [sflag:$0x1], $0x200, s28, s26, $0x38;
	[tilespmem:$0x17628] =	vst v63  }
0xec: {  	s7 =	simm.s32 $0x4A00  }
0xed: {  	[hbm4b:s9+s26] =	stream.strided.scatter [tilespmem:s7], [sflag:$0x1], $0x200, s28, s26, $0x38;
	[tilespmem:$0x17628] =	vst v63  }
0xee: {  	s6 =	simm.s32 $0x4C00  }
0xef: {  	[hbm4b:s10+s26] =	stream.strided.scatter [tilespmem:s6], [sflag:$0x1], $0x200, s28, s26, $0x38;
	[tilespmem:$0x17628] =	vst v63  }
0xf0: {  	s7 =	simm.s32 $0x4E00  }
0xf1: {  	[hbm4b:s11+s26] =	stream.strided.scatter [tilespmem:s7], [sflag:$0x1], $0x200, s28, s26, $0x38;
	[tilespmem:$0x17628] =	vst v63  }
0xf2: {  	s6 =	simm.s32 $0x5000  }
0xf3: {  	[hbm4b:s12+s26] =	stream.strided.scatter [tilespmem:s6], [sflag:$0x1], $0x200, s28, s26, $0x38;
	[tilespmem:$0x17628] =	vst v63  }
0xf4: {  	s7 =	simm.s32 $0x5200  }
0xf5: {  	[hbm4b:s13+s26] =	stream.strided.scatter [tilespmem:s7], [sflag:$0x1], $0x200, s28, s26, $0x38;
	[tilespmem:$0x17628] =	vst v63  }
0xf6: {  	s6 =	simm.s32 $0x5400  }
0xf7: {  	[hbm4b:s14+s26] =	stream.strided.scatter [tilespmem:s6], [sflag:$0x1], $0x200, s28, s26, $0x38;
	[tilespmem:$0x17628] =	vst v63  }
0xf8: {  	s7 =	simm.s32 $0x5600  }
0xf9: {  	[hbm4b:s15+s26] =	stream.strided.scatter [tilespmem:s7], [sflag:$0x1], $0x200, s28, s26, $0x38;
	[tilespmem:$0x17628] =	vst v63  }
0xfa: {  	s6 =	simm.s32 $0x5800  }
0xfb: {  	[hbm4b:s16+s26] =	stream.strided.scatter [tilespmem:s6], [sflag:$0x1], $0x200, s28, s26, $0x38;
	[tilespmem:$0x17628] =	vst v63  }
0xfc: {  	s7 =	simm.s32 $0x5A00  }
0xfd: {  	[hbm4b:s17+s26] =	stream.strided.scatter [tilespmem:s7], [sflag:$0x1], $0x200, s28, s26, $0x38;
	[tilespmem:$0x17628] =	vst v63  }
0xfe: {  	s6 =	simm.s32 $0x5C00  }
0xff: {  	[hbm4b:s18+s26] =	stream.strided.scatter [tilespmem:s6], [sflag:$0x1], $0x200, s28, s26, $0x38;
	[tilespmem:$0x17628] =	vst v63  }
0x100: {  	s7 =	simm.s32 $0x5E00  }
0x101: {  	[hbm4b:s19+s26] =	stream.strided.scatter [tilespmem:s7], [sflag:$0x1], $0x200, s28, s26, $0x38;
	[tilespmem:$0x17628] =	vst v63  }
0x102: {  	s6 =	simm.s32 $0x6000  }
0x103: {  	[hbm4b:s20+s26] =	stream.strided.scatter [tilespmem:s6], [sflag:$0x1], $0x200, s28, s26, $0x38;
	[tilespmem:$0x17628] =	vst v63  }
0x104: {  	s7 =	simm.s32 $0x6200  }
0x105: {  	[hbm4b:s21+s26] =	stream.strided.scatter [tilespmem:s7], [sflag:$0x1], $0x200, s28, s26, $0x38;
	[tilespmem:$0x17628] =	vst v63  }
0x106: {  	s6 =	simm.s32 $0x6400  }
0x107: {  	[hbm4b:s22+s26] =	stream.strided.scatter [tilespmem:s6], [sflag:$0x1], $0x200, s28, s26, $0x38;
	[tilespmem:$0x17628] =	vst v63  }
0x108: {  	s7 =	simm.s32 $0x6600  }
0x109: {  	[hbm4b:s23+s26] =	stream.strided.scatter [tilespmem:s7], [sflag:$0x1], $0x200, s28, s26, $0x38;
	[tilespmem:$0x17628] =	vst v63  }
0x10a: {  	_ =	swait.ge [sflag:s30], $0x200  }
0x10b: {  	[sflag:s30] =	ssyncset.done $0x0  }
0x10c: {  	[sflag:s30] =	ssyncadd.s32 $0xFFFFFE00  }
0x10d: {  	_ =	swait.ge [sflag:s30], $0x200  }
0x10e: {  	[sflag:s30] =	ssyncset.done $0x0  }
0x10f: {  	[sflag:s30] =	ssyncadd.s32 $0xFFFFFE00  }
0x110: {  	_ =	swait.ge [sflag:s30], $0x200  }
0x111: {  	[sflag:s30] =	ssyncset.done $0x0  }
0x112: {  	[sflag:s30] =	ssyncadd.s32 $0xFFFFFE00  }
0x113: {  	_ =	swait.ge [sflag:s30], $0x200  }
0x114: {  	[sflag:s30] =	ssyncset.done $0x0  }
0x115: {  	[sflag:s30] =	ssyncadd.s32 $0xFFFFFE00  }
0x116: {  	_ =	swait.ge [sflag:s30], $0x200  }
0x117: {  	[sflag:s30] =	ssyncset.done $0x0  }
0x118: {  	[sflag:s30] =	ssyncadd.s32 $0xFFFFFE00  }
0x119: {  	_ =	swait.ge [sflag:s30], $0x200  }
0x11a: {  	[sflag:s30] =	ssyncset.done $0x0  }
0x11b: {  	[sflag:s30] =	ssyncadd.s32 $0xFFFFFE00  }
0x11c: {  	_ =	swait.ge [sflag:s30], $0x200  }
0x11d: {  	[sflag:s30] =	ssyncset.done $0x0  }
0x11e: {  	[sflag:s30] =	ssyncadd.s32 $0xFFFFFE00  }
0x11f: {  	_ =	swait.ge [sflag:s30], $0x200  }
0x120: {  	[sflag:s30] =	ssyncset.done $0x0  }
0x121: {  	[sflag:s30] =	ssyncadd.s32 $0xFFFFFE00  }
0x122: {  	_ =	swait.ge [sflag:s30], $0x200  }
0x123: {  	[sflag:s30] =	ssyncset.done $0x0  }
0x124: {  	[sflag:s30] =	ssyncadd.s32 $0xFFFFFE00  }
0x125: {  	_ =	swait.ge [sflag:s30], $0x200  }
0x126: {  	[sflag:s30] =	ssyncset.done $0x0  }
0x127: {  	[sflag:s30] =	ssyncadd.s32 $0xFFFFFE00  }
0x128: {  	_ =	swait.ge [sflag:s30], $0x200  }
0x129: {  	[sflag:s30] =	ssyncset.done $0x0  }
0x12a: {  	[sflag:s30] =	ssyncadd.s32 $0xFFFFFE00  }
0x12b: {  	_ =	swait.ge [sflag:s30], $0x200  }
0x12c: {  	[sflag:s30] =	ssyncset.done $0x0  }
0x12d: {  	[sflag:s30] =	ssyncadd.s32 $0xFFFFFE00  }
0x12e: {  	_ =	swait.ge [sflag:s30], $0x200  }
0x12f: {  	[sflag:s30] =	ssyncset.done $0x0  }
0x130: {  	[sflag:s30] =	ssyncadd.s32 $0xFFFFFE00  }
0x131: {  	_ =	swait.ge [sflag:s30], $0x200  }
0x132: {  	[sflag:s30] =	ssyncset.done $0x0  }
0x133: {  	[sflag:s30] =	ssyncadd.s32 $0xFFFFFE00  }
0x134: {  	_ =	swait.ge [sflag:s30], $0x200  }
0x135: {  	[sflag:s30] =	ssyncset.done $0x0  }
0x136: {  	[sflag:s30] =	ssyncadd.s32 $0xFFFFFE00  }
0x137: {  	_ =	swait.ge [sflag:s30], $0x200  }
0x138: {  	[sflag:s30] =	ssyncset.done $0x0  }
0x139: {  	[sflag:s30] =	ssyncadd.s32 $0xFFFFFE00  }
0x13a: {  	_ =	swait.ge [sflag:s30], $0x200  }
0x13b: {  	[sflag:s30] =	ssyncset.done $0x0  }
0x13c: {  	[sflag:s30] =	ssyncadd.s32 $0xFFFFFE00  }
0x13d: {  	_ =	swait.ge [sflag:s30], $0x200  }
0x13e: {  	[sflag:s30] =	ssyncset.done $0x0  }
0x13f: {  	[sflag:s30] =	ssyncadd.s32 $0xFFFFFE00  }
0x140: {  	_ =	swait.ge [sflag:s30], $0x200  }
0x141: {  	[sflag:s30] =	ssyncset.done $0x0  }
0x142: {  	[sflag:s30] =	ssyncadd.s32 $0xFFFFFE00  }
0x143: {  	_ =	swait.ge [sflag:s30], $0x200  }
0x144: {  	[sflag:s30] =	ssyncset.done $0x0  }
0x145: {  	[sflag:s30] =	ssyncadd.s32 $0xFFFFFE00  }
0x146: {  	_ =	swait.ge [sflag:s30], $0x200  }
0x147: {  	[sflag:s30] =	ssyncset.done $0x0  }
0x148: {  	[sflag:s30] =	ssyncadd.s32 $0xFFFFFE00  }
0x149: {  	_ =	swait.ge [sflag:s30], $0x200  }
0x14a: {  	[sflag:s30] =	ssyncset.done $0x0  }
0x14b: {  	[sflag:s30] =	ssyncadd.s32 $0xFFFFFE00  }
0x14c: {  	_ =	swait.ge [sflag:s30], $0x200  }
0x14d: {  	[sflag:s30] =	ssyncset.done $0x0  }
0x14e: {  	[sflag:s30] =	ssyncadd.s32 $0xFFFFFE00  }
0x14f: {  	_ =	swait.ge [sflag:s30], $0x200  }
0x150: {  	[sflag:s30] =	ssyncset.done $0x0  }
0x151: {  	[sflag:s30] =	ssyncadd.s32 $0xFFFFFE00  }
0x152: {  	_ =	swait.ge [sflag:s30], $0x200  }
0x153: {  	[sflag:s30] =	ssyncset.done $0x0  }
0x154: {  	[sflag:s30] =	ssyncadd.s32 $0xFFFFFE00  }
0x155: {  	_ =	swait.ge [sflag:s30], $0x200  }
0x156: {  	[sflag:s30] =	ssyncset.done $0x0  }
0x157: {  	[sflag:s30] =	ssyncadd.s32 $0xFFFFFE00  }
0x158: {  	_ =	swait.ge [sflag:s3], $0x1A00  }
0x159: {  	[sflag:s3] =	ssyncset.done $0x0  }
0x15a: {  	[sflag:s3] =	ssyncadd.s32 $0xFFFFE600  }
0x15b: {  	_ =	swait.ge [sflag:s3], $0x1A00  }
0x15c: {  	[sflag:s3] =	ssyncset.done $0x0  }
0x15d: {  	s5 =	stileid.u32;
	[sflag:s3] =	ssyncadd.s32 $0xFFFFE600  }
0x15e: {  	s5 =	sshll.u32 @!p1 s5, $0x6;
	[bflag:$0x0] =	sbarrier.arrive $0xFFFF  }
0x15f: {  	s5 =	sor.u32 @!p1 $0x1C05, s5;
	s6 =	sshrl.u32 @!p1 s24, $0x3;
	s7 =	rddreg [dreg:$0x4]  }
0x160: {  	[hbm:s7], [sflag:s5] =	dma.local @!p1 [spmem:s6], $0x1E850  }
0x161: {  	s5 =	simm.s32 @!p1 $0x5  }
0x162: {  	_ =	swait.ge @!p1 [sflag:s5], $0x1E850  }
0x163: {  	s4 =	sadd.s32 $0x1, s4;
	[sflag:s5] =	ssyncset.done @!p1 $0x0  }
0x164: {  	p3 =	sne.s32 s4, s25;
	[sflag:s5] =	ssyncadd.s32 @!p1 $0xFFFE17B0  }
0x165: {  	s6 =	simm.s32 @p2 $0x1C05;
	s5 =	sshrl.u32 @p2 s24, $0x3;
	s7 =	rddreg [dreg:$0x5]  }
0x166: {  	[hbm:s7], [sflag:s6] =	dma.local @p2 [spmem:s5], $0x1E850  }
.Ltmp1:
0x167: {  	_ = 	snop;
	(pc) =	sbr.rel @p3 .LBB2_1-.Ltmp1, $4  }
0x168: {  	s5 =	simm.s32 @p2 $0x5  }
0x169: {  	_ =	swait.ge @p2 [sflag:s5], $0x1E850  }
0x16a: {  	[sflag:s5] =	ssyncset.done @p2 $0x0  }
0x16b: {  	[sflag:s5] =	ssyncadd.s32 @p2 $0xFFFE17B0  }
0x16c: {  	_ =	sfence.sel $0x180000  }
0x16d: {  	[bflag:$0x0] =	sbarrier.arrive $0xFFFF  }
0x16e: {  	_ =	strace $0x90000047  }
0x16f: {  	[bflag:$0x2] =	sbarrier.arrive $0xFFFF  }
0x170: {  	s0 =	rddreg [dreg:$0x7]  }
0x171: {  	s0 =	sadd.s32 @!p0 $0x100000, s0  }
0x172: {  	[sflag:s0] =	ssyncadd.tile.s32 @!p0 $0x1;
	_ =	shalt  }
.Lfunc_end2:
_tile_overlayer_lowered:
.L_overlay_start_2:
0x173: {  	(tag) =	ssettag $0x2  }
0x174: {  	s0 =	rddreg [dreg:$0x0];
	s2 =	stileid.u32  }
0x175: {  	s1 =	rddreg [dreg:$0x1];
	p0 =	sne.s32 s2, $0x0  }
0x176: {  	s3 =	rddreg [dreg:$0x2];
	[bflag:$0x3] =	sbarrier.arrive $0xFFFF;
	s2 =	simm.s32 @!p0 $0x1C05  }
0x177: {  	[timem:s3], [sflag:s2] =	dma.local @!p0 [hbm:s0], s1  }
0x178: {  	s0 =	simm.s32 @!p0 $0x5  }
0x179: {  	_ =	swait.ge @!p0 [sflag:s0], s1  }
0x17a: {  	s1 =	ssub.s32 @!p0 $0x0, s1;
	[sflag:s0] =	ssyncset.done @!p0 $0x0  }
0x17b: {  	[sflag:s0] =	ssyncadd.s32 @!p0 s1  }
0x17c: {  	[bflag:$0x3] =	sbarrier.arrive $0xFFFF  }
0x17d: {  	_ =	shalt  }

</sc_bundles>
